<compile_context>
chip_gen: v7x
topology: tpu7x:2x2x1
jax: 0.10.2.dev20260603
libtpu: 0.0.44.dev20260713+nightly
codegen_flags: <defaults>
</compile_context>

<pallas_src>
import functools

import jax
import jax.numpy as jnp
from jax import lax
from jax.experimental import pallas as pl
from jax.experimental.pallas import tpu as pltpu
from jax.experimental.pallas import tpu_sc as plsc

C = 4096
L = 16
NWORK = 32
STRIP = C // NWORK
CV = STRIP // L
R = 64
NCH = C // R
NBUF = 4
NG = NCH // NBUF


def _wm_body(dom, hexp, act, nh_out, ndom_out,
             buf0, buf1, buf2, buf3, hx, ast, nhb,
             in0, in1, in2, in3, out0, out1, out2, out3, hsem):
    bufs = (buf0, buf1, buf2, buf3)
    insems = (in0, in1, in2, in3)
    outsems = (out0, out1, out2, out3)
    wid = lax.axis_index("s") * 2 + lax.axis_index("c")
    j0 = wid * STRIP

    pltpu.async_copy(hexp, hx, hsem)
    pltpu.sync_copy(act.at[pl.ds(j0, STRIP)], ast)

    pltpu.async_copy(dom.at[pl.ds(0, R), pl.ds(j0, STRIP)], bufs[0], insems[0])
    pltpu.async_copy(dom.at[pl.ds(R, R), pl.ds(j0, STRIP)], bufs[1], insems[1])

    ap = [1.0 - ast[pl.ds(c * L, L)] for c in range(CV)]

    pltpu.make_async_copy(hexp, hx, hsem).wait()

    zeros = jnp.zeros((L,), jnp.float32)
    ms0 = tuple((zeros, zeros, zeros) for _ in range(CV))

    def make_row_body(buf, kbase):
        def row_body(r, ms):
            hv = hx[kbase + r, :]
            hp = 1.0 - hv
            new = []
            for c in range(CV):
                sl = pl.ds(c * L, L)
                d = buf[r, sl]
                p1 = d * ap[c]
                p2 = d * hp
                buf[r, sl] = p1 + p2 - p1 * p2
                v = d - p2
                m1, m2, m3 = ms[c]
                n1 = jnp.maximum(m1, v)
                x = jnp.minimum(m1, v)
                n2 = jnp.maximum(m2, x)
                x = jnp.minimum(m2, x)
                n3 = jnp.maximum(m3, x)
                new.append((n1, n2, n3))
            return tuple(new)
        return row_body

    def group(g, ms):
        for b in range(NBUF):
            k = NBUF * g + b
            pltpu.make_async_copy(
                dom.at[pl.ds(k * R, R), pl.ds(j0, STRIP)],
                bufs[b], insems[b]).wait()
            b2 = (b + 2) % NBUF

            def drain(b2=b2):
                pltpu.make_async_copy(
                    bufs[b2],
                    ndom_out.at[pl.ds(0, R), pl.ds(j0, STRIP)],
                    outsems[b2]).wait()

            def prefetch(k=k, b2=b2):
                pltpu.async_copy(
                    dom.at[pl.ds((k + 2) * R, R), pl.ds(j0, STRIP)],
                    bufs[b2], insems[b2])

            if b < 2:
                pl.when(g >= 1)(drain)
                prefetch()
            else:
                drain()
                pl.when(g < NG - 1)(prefetch)

            ms = lax.fori_loop(0, R, make_row_body(bufs[b], k * R), ms)
            pltpu.async_copy(
                bufs[b],
                ndom_out.at[pl.ds(k * R, R), pl.ds(j0, STRIP)],
                outsems[b])
        return ms

    ms = lax.fori_loop(0, NG, group, ms0)

    for b in (2, 3):
        pltpu.make_async_copy(
            bufs[b], ndom_out.at[pl.ds(0, R), pl.ds(j0, STRIP)],
            outsems[b]).wait()

    for c in range(CV):
        m1, m2, m3 = ms[c]
        av = ast[pl.ds(c * L, L)]
        t = (1.0 - m1 * av) * ((1.0 - m2 * av) * (1.0 - m3 * av))
        nhb[pl.ds(c * L, L)] = 1.0 - t
    pltpu.sync_copy(nhb, nh_out.at[pl.ds(j0, STRIP)])


_wm_call = functools.partial(
    pl.kernel,
    mesh=plsc.VectorSubcoreMesh(core_axis_name="c", subcore_axis_name="s"),
    compiler_params=pltpu.CompilerParams(use_tc_tiling_on_sc=False),
    out_type=[
        jax.ShapeDtypeStruct((C,), jnp.float32),
        jax.ShapeDtypeStruct((C, C), jnp.float32),
    ],
    scratch_types=[
        pltpu.VMEM((R, STRIP), jnp.float32),
        pltpu.VMEM((R, STRIP), jnp.float32),
        pltpu.VMEM((R, STRIP), jnp.float32),
        pltpu.VMEM((R, STRIP), jnp.float32),
        pltpu.VMEM((C, L), jnp.float32),
        pltpu.VMEM((STRIP,), jnp.float32),
        pltpu.VMEM((STRIP,), jnp.float32),
        pltpu.SemaphoreType.DMA,
        pltpu.SemaphoreType.DMA,
        pltpu.SemaphoreType.DMA,
        pltpu.SemaphoreType.DMA,
        pltpu.SemaphoreType.DMA,
        pltpu.SemaphoreType.DMA,
        pltpu.SemaphoreType.DMA,
        pltpu.SemaphoreType.DMA,
        pltpu.SemaphoreType.DMA,
    ],
)(_wm_body)


def kernel(action, holding, dominos):
    dom = dominos.reshape(C, C)
    hexp = jnp.broadcast_to(holding[:, None], (C, L))
    nh, ndom = _wm_call(dom, hexp, action)
    return nh, ndom.reshape(-1)

# --- scband reference (transcript-rebuilt; emitter-appended) ---
"""Pipeline reference for scband-world-model-32882269618756 (READ-ONLY COPY).

The authoritative reference and input builder live on the scoring server;
editing this copy changes nothing except your own understanding.
"""

import jax, jax.numpy as jnp
import numpy as np

N_COLORS = 4096
TOP_K = 3  # scallop difftopkproofs default k


def setup_inputs(seed: int = 0) -> dict:
    key = jax.random.key(seed)
    k1, k2, k3 = jax.random.split(key, 3)
    action = jax.random.uniform(k1, (N_COLORS,), dtype=jnp.float32)
    holding = jax.random.uniform(k2, (N_COLORS,), dtype=jnp.float32)
    dominos = jax.random.uniform(k3, (N_COLORS * N_COLORS,), dtype=jnp.float32)
    return {"action": action, "holding": holding, "dominos": dominos}


def reference(action, holding, dominos):
    # Differentiable top-k-proofs semantics of the scallop program:
    #   next_holding(n) = current_holding(m) and current_domino(m,n) and action(n)
    #   next_domino(n,m) = current_domino(n,m) and ~action(m)
    #   next_domino(n,m) = current_domino(n,m) and ~current_holding(n)
    C = action.shape[0]
    dom = dominos.reshape(C, C)  # dom[m, n] = P(current_domino(m, n))

    # --- next_holding: one proof per m for each n; keep top-k proofs, noisy-or ---
    proofs = holding[:, None] * dom * action[None, :]  # [m, n]
    topk_vals, _ = jax.lax.top_k(proofs.T, TOP_K)  # [n, k]
    next_holding = 1.0 - jnp.prod(1.0 - topk_vals, axis=-1)  # [n]

    # --- next_domino: two proofs per (n, m); k=3 >= 2 so both retained, noisy-or ---
    p1 = dom * (1.0 - action)[None, :]   # domino(n,m) and ~action(m)
    p2 = dom * (1.0 - holding)[:, None]  # domino(n,m) and ~holding(n)
    next_domino = 1.0 - (1.0 - p1) * (1.0 - p2)  # [n, m]

    return next_holding, next_domino.reshape(-1)

if __name__ == "__main__":
    import jax
    _d = setup_inputs()
    print(jax.jit(kernel)(*tuple(_d.values())))

</pallas_src>

<mosaic_0001>
#map = affine_map<(d0, d1) -> (0, 0)>
#map1 = affine_map<(d0, d1) -> (0)>
module attributes {stable_mosaic.version = 14 : i64} {
  func.func @_wm_body(%arg0: i32, %arg1: i32, %arg2: memref<4096x4096xf32, #tpu.memory_space<hbm>>, %arg3: memref<4096x16xf32, #tpu.memory_space<hbm>>, %arg4: memref<4096xf32, #tpu.memory_space<hbm>>, %arg5: memref<4096xf32, #tpu.memory_space<hbm>>, %arg6: memref<4096x4096xf32, #tpu.memory_space<hbm>>, %arg7: memref<64x128xf32, #tpu.memory_space<vmem>>, %arg8: memref<64x128xf32, #tpu.memory_space<vmem>>, %arg9: memref<64x128xf32, #tpu.memory_space<vmem>>, %arg10: memref<64x128xf32, #tpu.memory_space<vmem>>, %arg11: memref<4096x16xf32, #tpu.memory_space<vmem>>, %arg12: memref<128xf32, #tpu.memory_space<vmem>>, %arg13: memref<128xf32, #tpu.memory_space<vmem>>, %arg14: memref<!tpu.dma_semaphore, #tpu.memory_space<semaphore_mem>>, %arg15: memref<!tpu.dma_semaphore, #tpu.memory_space<semaphore_mem>>, %arg16: memref<!tpu.dma_semaphore, #tpu.memory_space<semaphore_mem>>, %arg17: memref<!tpu.dma_semaphore, #tpu.memory_space<semaphore_mem>>, %arg18: memref<!tpu.dma_semaphore, #tpu.memory_space<semaphore_mem>>, %arg19: memref<!tpu.dma_semaphore, #tpu.memory_space<semaphore_mem>>, %arg20: memref<!tpu.dma_semaphore, #tpu.memory_space<semaphore_mem>>, %arg21: memref<!tpu.dma_semaphore, #tpu.memory_space<semaphore_mem>>, %arg22: memref<!tpu.dma_semaphore, #tpu.memory_space<semaphore_mem>>) attributes {dimension_semantics = [#tpu.dimension_semantics<core_parallel>, #tpu.dimension_semantics<subcore_parallel>], iteration_bounds = array<i64: 2, 16>, scalar_prefetch = 0 : i64, scratch_operands = 16 : i64, tpu.core_type = #tpu.core_type<sc_vector_subcore>, window_params = [{transform_indices = #map}, {transform_indices = #map}, {transform_indices = #map1}, {transform_indices = #map1}, {transform_indices = #map}]} {
    %mul3A = arith.constant 2 : i32
    %mul3A_0 = arith.muli %arg1, %mul3A : i32
    %add3A = arith.addi %mul3A_0, %arg0 : i32
    %mul3A_1 = arith.constant 128 : i32
    %mul3A_2 = arith.muli %add3A, %mul3A_1 : i32
    tpu.enqueue_dma source(%arg3 : memref<4096x16xf32, #tpu.memory_space<hbm>>) target(%arg11 : memref<4096x16xf32, #tpu.memory_space<vmem>>) target_semaphore(%arg22 : memref<!tpu.dma_semaphore, #tpu.memory_space<semaphore_mem>>)
    "tpu.region"() ({
      %run_scoped3A = tpu.sem_alloc : memref<!tpu.dma_semaphore, #tpu.memory_space<semaphore_mem>>
      %dma_start3A_260 = tpu.memref_slice %arg4[%mul3A_2] : memref<4096xf32, #tpu.memory_space<hbm>> -> memref<128xf32, #tpu.memory_space<hbm>>
      %dma_start3A_261 = tpu.memref_slice %arg4[%mul3A_2] : memref<4096xf32, #tpu.memory_space<hbm>> -> memref<128xf32, #tpu.memory_space<hbm>>
      tpu.enqueue_dma source(%dma_start3A_261 : memref<128xf32, #tpu.memory_space<hbm>>) target(%arg12 : memref<128xf32, #tpu.memory_space<vmem>>) target_semaphore(%run_scoped3A : memref<!tpu.dma_semaphore, #tpu.memory_space<semaphore_mem>>)
      %dma_wait3A_262 = tpu.memref_slice %arg4[%mul3A_2] : memref<4096xf32, #tpu.memory_space<hbm>> -> memref<128xf32, #tpu.memory_space<hbm>>
      %dma_wait3A_263 = tpu.memref_slice %arg4[%mul3A_2] : memref<4096xf32, #tpu.memory_space<hbm>> -> memref<128xf32, #tpu.memory_space<hbm>>
      tpu.wait_dma2 semaphore(%run_scoped3A : memref<!tpu.dma_semaphore, #tpu.memory_space<semaphore_mem>>) src(%dma_wait3A_263 : memref<128xf32, #tpu.memory_space<hbm>>) dst(%arg12 : memref<128xf32, #tpu.memory_space<vmem>>)
      tpu.yield
    }) : () -> ()
    %dma_start3A = arith.constant 0 : i32
    %dma_start3A_3 = tpu.memref_slice %arg2[%dma_start3A, %mul3A_2] : memref<4096x4096xf32, #tpu.memory_space<hbm>> -> memref<64x128xf32, #tpu.memory_space<hbm>>
    %dma_start3A_4 = arith.constant 0 : i32
    %dma_start3A_5 = tpu.memref_slice %arg2[%dma_start3A_4, %mul3A_2] : memref<4096x4096xf32, #tpu.memory_space<hbm>> -> memref<64x128xf32, #tpu.memory_space<hbm>>
    tpu.enqueue_dma source(%dma_start3A_5 : memref<64x128xf32, #tpu.memory_space<hbm>>) target(%arg7 : memref<64x128xf32, #tpu.memory_space<vmem>>) target_semaphore(%arg14 : memref<!tpu.dma_semaphore, #tpu.memory_space<semaphore_mem>>)
    %dma_start3A_6 = arith.constant 64 : i32
    %dma_start3A_7 = tpu.memref_slice %arg2[%dma_start3A_6, %mul3A_2] : memref<4096x4096xf32, #tpu.memory_space<hbm>> -> memref<64x128xf32, #tpu.memory_space<hbm>>
    %dma_start3A_8 = arith.constant 64 : i32
    %dma_start3A_9 = tpu.memref_slice %arg2[%dma_start3A_8, %mul3A_2] : memref<4096x4096xf32, #tpu.memory_space<hbm>> -> memref<64x128xf32, #tpu.memory_space<hbm>>
    tpu.enqueue_dma source(%dma_start3A_9 : memref<64x128xf32, #tpu.memory_space<hbm>>) target(%arg8 : memref<64x128xf32, #tpu.memory_space<vmem>>) target_semaphore(%arg15 : memref<!tpu.dma_semaphore, #tpu.memory_space<semaphore_mem>>)
    %get3A = arith.constant 0 : index
    %get3A_10 = tpu.vector_load %arg12[%get3A] {strides = array<i32>} : memref<128xf32, #tpu.memory_space<vmem>>, vector<16xf32>,
    %get3A_11 = vector.shape_cast %get3A_10 : vector<16xf32> to vector<16xf32>
    %sub3A = arith.constant 1.000000e+00 : f32
    %sub3A_12 = vector.broadcast %sub3A : f32 to vector<16xf32>
    %sub3A_13 = arith.subf %sub3A_12, %get3A_11 : vector<16xf32>
    %get3A_14 = arith.constant 16 : index
    %get3A_15 = tpu.vector_load %arg12[%get3A_14] {strides = array<i32>} : memref<128xf32, #tpu.memory_space<vmem>>, vector<16xf32>,
    %get3A_16 = vector.shape_cast %get3A_15 : vector<16xf32> to vector<16xf32>
    %sub3A_17 = arith.constant 1.000000e+00 : f32
    %sub3A_18 = vector.broadcast %sub3A_17 : f32 to vector<16xf32>
    %sub3A_19 = arith.subf %sub3A_18, %get3A_16 : vector<16xf32>
    %get3A_20 = arith.constant 32 : index
    %get3A_21 = tpu.vector_load %arg12[%get3A_20] {strides = array<i32>} : memref<128xf32, #tpu.memory_space<vmem>>, vector<16xf32>,
    %get3A_22 = vector.shape_cast %get3A_21 : vector<16xf32> to vector<16xf32>
    %sub3A_23 = arith.constant 1.000000e+00 : f32
    %sub3A_24 = vector.broadcast %sub3A_23 : f32 to vector<16xf32>
    %sub3A_25 = arith.subf %sub3A_24, %get3A_22 : vector<16xf32>
    %get3A_26 = arith.constant 48 : index
    %get3A_27 = tpu.vector_load %arg12[%get3A_26] {strides = array<i32>} : memref<128xf32, #tpu.memory_space<vmem>>, vector<16xf32>,
    %get3A_28 = vector.shape_cast %get3A_27 : vector<16xf32> to vector<16xf32>
    %sub3A_29 = arith.constant 1.000000e+00 : f32
    %sub3A_30 = vector.broadcast %sub3A_29 : f32 to vector<16xf32>
    %sub3A_31 = arith.subf %sub3A_30, %get3A_28 : vector<16xf32>
    %get3A_32 = arith.constant 64 : index
    %get3A_33 = tpu.vector_load %arg12[%get3A_32] {strides = array<i32>} : memref<128xf32, #tpu.memory_space<vmem>>, vector<16xf32>,
    %get3A_34 = vector.shape_cast %get3A_33 : vector<16xf32> to vector<16xf32>
    %sub3A_35 = arith.constant 1.000000e+00 : f32
    %sub3A_36 = vector.broadcast %sub3A_35 : f32 to vector<16xf32>
    %sub3A_37 = arith.subf %sub3A_36, %get3A_34 : vector<16xf32>
    %get3A_38 = arith.constant 80 : index
    %get3A_39 = tpu.vector_load %arg12[%get3A_38] {strides = array<i32>} : memref<128xf32, #tpu.memory_space<vmem>>, vector<16xf32>,
    %get3A_40 = vector.shape_cast %get3A_39 : vector<16xf32> to vector<16xf32>
    %sub3A_41 = arith.constant 1.000000e+00 : f32
    %sub3A_42 = vector.broadcast %sub3A_41 : f32 to vector<16xf32>
    %sub3A_43 = arith.subf %sub3A_42, %get3A_40 : vector<16xf32>
    %get3A_44 = arith.constant 96 : index
    %get3A_45 = tpu.vector_load %arg12[%get3A_44] {strides = array<i32>} : memref<128xf32, #tpu.memory_space<vmem>>, vector<16xf32>,
    %get3A_46 = vector.shape_cast %get3A_45 : vector<16xf32> to vector<16xf32>
    %sub3A_47 = arith.constant 1.000000e+00 : f32
    %sub3A_48 = vector.broadcast %sub3A_47 : f32 to vector<16xf32>
    %sub3A_49 = arith.subf %sub3A_48, %get3A_46 : vector<16xf32>
    %get3A_50 = arith.constant 112 : index
    %get3A_51 = tpu.vector_load %arg12[%get3A_50] {strides = array<i32>} : memref<128xf32, #tpu.memory_space<vmem>>, vector<16xf32>,
    %get3A_52 = vector.shape_cast %get3A_51 : vector<16xf32> to vector<16xf32>
    %sub3A_53 = arith.constant 1.000000e+00 : f32
    %sub3A_54 = vector.broadcast %sub3A_53 : f32 to vector<16xf32>
    %sub3A_55 = arith.subf %sub3A_54, %get3A_52 : vector<16xf32>
    tpu.wait_dma2 semaphore(%arg22 : memref<!tpu.dma_semaphore, #tpu.memory_space<semaphore_mem>>) src(%arg3 : memref<4096x16xf32, #tpu.memory_space<hbm>>) dst(%arg11 : memref<4096x16xf32, #tpu.memory_space<vmem>>)
    %broadcast_in_dim3A = arith.constant 0.000000e+00 : f32
    %broadcast_in_dim3A_56 = vector.broadcast %broadcast_in_dim3A : f32 to vector<16xf32>
    %scan3A = arith.constant 0 : i32
    %scan3A_57 = arith.constant 16 : i32
    %scan3A_58 = arith.addi %scan3A, %scan3A_57 : i32
    %scan3A_59 = arith.constant 1 : i32
    %scan3A_60:24 = scf.for %scan3A_260 = %scan3A to %scan3A_58 step %scan3A_59 iter_args(%scan3A_261 = %broadcast_in_dim3A_56, %scan3A_262 = %broadcast_in_dim3A_56, %scan3A_263 = %broadcast_in_dim3A_56, %scan3A_264 = %broadcast_in_dim3A_56, %scan3A_265 = %broadcast_in_dim3A_56, %scan3A_266 = %broadcast_in_dim3A_56, %scan3A_267 = %broadcast_in_dim3A_56, %scan3A_268 = %broadcast_in_dim3A_56, %scan3A_269 = %broadcast_in_dim3A_56, %scan3A_270 = %broadcast_in_dim3A_56, %scan3A_271 = %broadcast_in_dim3A_56, %scan3A_272 = %broadcast_in_dim3A_56, %scan3A_273 = %broadcast_in_dim3A_56, %scan3A_274 = %broadcast_in_dim3A_56, %scan3A_275 = %broadcast_in_dim3A_56, %scan3A_276 = %broadcast_in_dim3A_56, %scan3A_277 = %broadcast_in_dim3A_56, %scan3A_278 = %broadcast_in_dim3A_56, %scan3A_279 = %broadcast_in_dim3A_56, %scan3A_280 = %broadcast_in_dim3A_56, %scan3A_281 = %broadcast_in_dim3A_56, %scan3A_282 = %broadcast_in_dim3A_56, %scan3A_283 = %broadcast_in_dim3A_56, %scan3A_284 = %broadcast_in_dim3A_56) -> (vector<16xf32>, vector<16xf32>, vector<16xf32>, vector<16xf32>, vector<16xf32>, vector<16xf32>, vector<16xf32>, vector<16xf32>, vector<16xf32>, vector<16xf32>, vector<16xf32>, vector<16xf32>, vector<16xf32>, vector<16xf32>, vector<16xf32>, vector<16xf32>, vector<16xf32>, vector<16xf32>, vector<16xf32>, vector<16xf32>, vector<16xf32>, vector<16xf32>, vector<16xf32>, vector<16xf32>)  : i32 {
      %mul3A_285 = arith.constant 4 : i32
      %mul3A_286 = arith.muli %mul3A_285, %scan3A_260 : i32
      %add3A_287 = arith.constant 0 : i32
      %add3A_288 = arith.addi %mul3A_286, %add3A_287 : i32
      %mul3A_289 = arith.constant 64 : i32
      %mul3A_290 = arith.muli %add3A_288, %mul3A_289 : i32
      %dma_wait3A_291 = tpu.memref_slice %arg2[%mul3A_290, %mul3A_2] : memref<4096x4096xf32, #tpu.memory_space<hbm>> -> memref<64x128xf32, #tpu.memory_space<hbm>>
      %dma_wait3A_292 = tpu.memref_slice %arg2[%mul3A_290, %mul3A_2] : memref<4096x4096xf32, #tpu.memory_space<hbm>> -> memref<64x128xf32, #tpu.memory_space<hbm>>
      tpu.wait_dma2 semaphore(%arg14 : memref<!tpu.dma_semaphore, #tpu.memory_space<semaphore_mem>>) src(%dma_wait3A_292 : memref<64x128xf32, #tpu.memory_space<hbm>>) dst(%arg7 : memref<64x128xf32, #tpu.memory_space<vmem>>)
      %ge3A = arith.constant 1 : i32
      %ge3A_293 = arith.cmpi sge, %scan3A_260, %ge3A : i32
      %convert_element_type3A = arith.extui %ge3A_293 : i1 to i32
      %cond3A = arith.constant 0 : i32
      %cond3A_294 = arith.cmpi ne, %convert_element_type3A, %cond3A : i32
      scf.if %cond3A_294 {
        %dma_wait3A_401 = arith.constant 0 : i32
        %dma_wait3A_402 = tpu.memref_slice %arg6[%dma_wait3A_401, %mul3A_2] : memref<4096x4096xf32, #tpu.memory_space<hbm>> -> memref<64x128xf32, #tpu.memory_space<hbm>>
        %dma_wait3A_403 = arith.constant 0 : i32
        %dma_wait3A_404 = tpu.memref_slice %arg6[%dma_wait3A_403, %mul3A_2] : memref<4096x4096xf32, #tpu.memory_space<hbm>> -> memref<64x128xf32, #tpu.memory_space<hbm>>
        tpu.wait_dma2 semaphore(%arg20 : memref<!tpu.dma_semaphore, #tpu.memory_space<semaphore_mem>>) src(%arg9 : memref<64x128xf32, #tpu.memory_space<vmem>>) dst(%dma_wait3A_404 : memref<64x128xf32, #tpu.memory_space<hbm>>)
      } else {
      }
      %add3A_295 = arith.constant 2 : i32
      %add3A_296 = arith.addi %add3A_288, %add3A_295 : i32
      %mul3A_297 = arith.constant 64 : i32
      %mul3A_298 = arith.muli %add3A_296, %mul3A_297 : i32
      %dma_start3A_299 = tpu.memref_slice %arg2[%mul3A_298, %mul3A_2] : memref<4096x4096xf32, #tpu.memory_space<hbm>> -> memref<64x128xf32, #tpu.memory_space<hbm>>
      %dma_start3A_300 = tpu.memref_slice %arg2[%mul3A_298, %mul3A_2] : memref<4096x4096xf32, #tpu.memory_space<hbm>> -> memref<64x128xf32, #tpu.memory_space<hbm>>
      tpu.enqueue_dma source(%dma_start3A_300 : memref<64x128xf32, #tpu.memory_space<hbm>>) target(%arg9 : memref<64x128xf32, #tpu.memory_space<vmem>>) target_semaphore(%arg16 : memref<!tpu.dma_semaphore, #tpu.memory_space<semaphore_mem>>)
      %mul3A_301 = arith.constant 64 : i32
      %mul3A_302 = arith.muli %add3A_288, %mul3A_301 : i32
      %scan3A_303 = arith.constant 0 : i32
      %scan3A_304 = arith.constant 64 : i32
      %scan3A_305 = arith.addi %scan3A_303, %scan3A_304 : i32
      %scan3A_306 = arith.constant 1 : i32
      %scan3A_307:24 = scf.for %scan3A_401 = %scan3A_303 to %scan3A_305 step %scan3A_306 iter_args(%scan3A_402 = %scan3A_261, %scan3A_403 = %scan3A_262, %scan3A_404 = %scan3A_263, %scan3A_405 = %scan3A_264, %scan3A_406 = %scan3A_265, %scan3A_407 = %scan3A_266, %scan3A_408 = %scan3A_267, %scan3A_409 = %scan3A_268, %scan3A_410 = %scan3A_269, %scan3A_411 = %scan3A_270, %scan3A_412 = %scan3A_271, %scan3A_413 = %scan3A_272, %scan3A_414 = %scan3A_273, %scan3A_415 = %scan3A_274, %scan3A_416 = %scan3A_275, %scan3A_417 = %scan3A_276, %scan3A_418 = %scan3A_277, %scan3A_419 = %scan3A_278, %scan3A_420 = %scan3A_279, %scan3A_421 = %scan3A_280, %scan3A_422 = %scan3A_281, %scan3A_423 = %scan3A_282, %scan3A_424 = %scan3A_283, %scan3A_425 = %scan3A_284) -> (vector<16xf32>, vector<16xf32>, vector<16xf32>, vector<16xf32>, vector<16xf32>, vector<16xf32>, vector<16xf32>, vector<16xf32>, vector<16xf32>, vector<16xf32>, vector<16xf32>, vector<16xf32>, vector<16xf32>, vector<16xf32>, vector<16xf32>, vector<16xf32>, vector<16xf32>, vector<16xf32>, vector<16xf32>, vector<16xf32>, vector<16xf32>, vector<16xf32>, vector<16xf32>, vector<16xf32>)  : i32 {
        %add3A_426 = arith.addi %mul3A_302, %scan3A_401 : i32
        %get3A_427 = arith.index_cast %add3A_426 : i32 to index
        %get3A_428 = arith.constant 0 : index
        %get3A_429 = tpu.vector_load %arg11[%get3A_427, %get3A_428] {strides = array<i32>} : memref<4096x16xf32, #tpu.memory_space<vmem>>, vector<1x16xf32>,
        %get3A_430 = vector.shape_cast %get3A_429 : vector<1x16xf32> to vector<16xf32>
        %sub3A_431 = arith.constant 1.000000e+00 : f32
        %sub3A_432 = vector.broadcast %sub3A_431 : f32 to vector<16xf32>
        %sub3A_433 = arith.subf %sub3A_432, %get3A_430 : vector<16xf32>
        %get3A_434 = arith.index_cast %scan3A_401 : i32 to index
        %get3A_435 = arith.constant 0 : index
        %get3A_436 = tpu.vector_load %arg7[%get3A_434, %get3A_435] {strides = array<i32>} : memref<64x128xf32, #tpu.memory_space<vmem>>, vector<1x16xf32>,
        %get3A_437 = vector.shape_cast %get3A_436 : vector<1x16xf32> to vector<16xf32>
        %mul3A_438 = arith.mulf %get3A_437, %sub3A_13 : vector<16xf32>
        %mul3A_439 = arith.mulf %get3A_437, %sub3A_433 : vector<16xf32>
        %add3A_440 = arith.addf %mul3A_438, %mul3A_439 : vector<16xf32>
        %mul3A_441 = arith.mulf %mul3A_438, %mul3A_439 : vector<16xf32>
        %sub3A_442 = arith.subf %add3A_440, %mul3A_441 : vector<16xf32>
        %swap3A_443 = arith.index_cast %scan3A_401 : i32 to index
        %swap3A_444 = arith.constant 0 : index
        %swap3A_445 = tpu.vector_load %arg7[%swap3A_443, %swap3A_444] {strides = array<i32>} : memref<64x128xf32, #tpu.memory_space<vmem>>, vector<1x16xf32>,
        %swap3A_446 = vector.shape_cast %swap3A_445 : vector<1x16xf32> to vector<16xf32>
        %swap3A_447 = vector.shape_cast %sub3A_442 : vector<16xf32> to vector<1x16xf32>
        tpu.vector_store %arg7[%swap3A_443, %swap3A_444], %swap3A_447 {strides = array<i32>} : memref<64x128xf32, #tpu.memory_space<vmem>>, vector<1x16xf32>,
        %sub3A_448 = arith.subf %get3A_437, %mul3A_439 : vector<16xf32>
        %max3A = arith.maximumf %scan3A_402, %sub3A_448 : vector<16xf32>
        %min3A = arith.minimumf %scan3A_402, %sub3A_448 : vector<16xf32>
        %max3A_449 = arith.maximumf %scan3A_403, %min3A : vector<16xf32>
        %min3A_450 = arith.minimumf %scan3A_403, %min3A : vector<16xf32>
        %max3A_451 = arith.maximumf %scan3A_404, %min3A_450 : vector<16xf32>
        %get3A_452 = arith.index_cast %scan3A_401 : i32 to index
        %get3A_453 = arith.constant 16 : index
        %get3A_454 = tpu.vector_load %arg7[%get3A_452, %get3A_453] {strides = array<i32>} : memref<64x128xf32, #tpu.memory_space<vmem>>, vector<1x16xf32>,
        %get3A_455 = vector.shape_cast %get3A_454 : vector<1x16xf32> to vector<16xf32>
        %mul3A_456 = arith.mulf %get3A_455, %sub3A_19 : vector<16xf32>
        %mul3A_457 = arith.mulf %get3A_455, %sub3A_433 : vector<16xf32>
        %add3A_458 = arith.addf %mul3A_456, %mul3A_457 : vector<16xf32>
        %mul3A_459 = arith.mulf %mul3A_456, %mul3A_457 : vector<16xf32>
        %sub3A_460 = arith.subf %add3A_458, %mul3A_459 : vector<16xf32>
        %swap3A_461 = arith.index_cast %scan3A_401 : i32 to index
        %swap3A_462 = arith.constant 16 : index
        %swap3A_463 = tpu.vector_load %arg7[%swap3A_461, %swap3A_462] {strides = array<i32>} : memref<64x128xf32, #tpu.memory_space<vmem>>, vector<1x16xf32>,
        %swap3A_464 = vector.shape_cast %swap3A_463 : vector<1x16xf32> to vector<16xf32>
        %swap3A_465 = vector.shape_cast %sub3A_460 : vector<16xf32> to vector<1x16xf32>
        tpu.vector_store %arg7[%swap3A_461, %swap3A_462], %swap3A_465 {strides = array<i32>} : memref<64x128xf32, #tpu.memory_space<vmem>>, vector<1x16xf32>,
        %sub3A_466 = arith.subf %get3A_455, %mul3A_457 : vector<16xf32>
        %max3A_467 = arith.maximumf %scan3A_405, %sub3A_466 : vector<16xf32>
        %min3A_468 = arith.minimumf %scan3A_405, %sub3A_466 : vector<16xf32>
        %max3A_469 = arith.maximumf %scan3A_406, %min3A_468 : vector<16xf32>
        %min3A_470 = arith.minimumf %scan3A_406, %min3A_468 : vector<16xf32>
        %max3A_471 = arith.maximumf %scan3A_407, %min3A_470 : vector<16xf32>
        %get3A_472 = arith.index_cast %scan3A_401 : i32 to index
        %get3A_473 = arith.constant 32 : index
        %get3A_474 = tpu.vector_load %arg7[%get3A_472, %get3A_473] {strides = array<i32>} : memref<64x128xf32, #tpu.memory_space<vmem>>, vector<1x16xf32>,
        %get3A_475 = vector.shape_cast %get3A_474 : vector<1x16xf32> to vector<16xf32>
        %mul3A_476 = arith.mulf %get3A_475, %sub3A_25 : vector<16xf32>
        %mul3A_477 = arith.mulf %get3A_475, %sub3A_433 : vector<16xf32>
        %add3A_478 = arith.addf %mul3A_476, %mul3A_477 : vector<16xf32>
        %mul3A_479 = arith.mulf %mul3A_476, %mul3A_477 : vector<16xf32>
        %sub3A_480 = arith.subf %add3A_478, %mul3A_479 : vector<16xf32>
        %swap3A_481 = arith.index_cast %scan3A_401 : i32 to index
        %swap3A_482 = arith.constant 32 : index
        %swap3A_483 = tpu.vector_load %arg7[%swap3A_481, %swap3A_482] {strides = array<i32>} : memref<64x128xf32, #tpu.memory_space<vmem>>, vector<1x16xf32>,
        %swap3A_484 = vector.shape_cast %swap3A_483 : vector<1x16xf32> to vector<16xf32>
        %swap3A_485 = vector.shape_cast %sub3A_480 : vector<16xf32> to vector<1x16xf32>
        tpu.vector_store %arg7[%swap3A_481, %swap3A_482], %swap3A_485 {strides = array<i32>} : memref<64x128xf32, #tpu.memory_space<vmem>>, vector<1x16xf32>,
        %sub3A_486 = arith.subf %get3A_475, %mul3A_477 : vector<16xf32>
        %max3A_487 = arith.maximumf %scan3A_408, %sub3A_486 : vector<16xf32>
        %min3A_488 = arith.minimumf %scan3A_408, %sub3A_486 : vector<16xf32>
        %max3A_489 = arith.maximumf %scan3A_409, %min3A_488 : vector<16xf32>
        %min3A_490 = arith.minimumf %scan3A_409, %min3A_488 : vector<16xf32>
        %max3A_491 = arith.maximumf %scan3A_410, %min3A_490 : vector<16xf32>
        %get3A_492 = arith.index_cast %scan3A_401 : i32 to index
        %get3A_493 = arith.constant 48 : index
        %get3A_494 = tpu.vector_load %arg7[%get3A_492, %get3A_493] {strides = array<i32>} : memref<64x128xf32, #tpu.memory_space<vmem>>, vector<1x16xf32>,
        %get3A_495 = vector.shape_cast %get3A_494 : vector<1x16xf32> to vector<16xf32>
        %mul3A_496 = arith.mulf %get3A_495, %sub3A_31 : vector<16xf32>
        %mul3A_497 = arith.mulf %get3A_495, %sub3A_433 : vector<16xf32>
        %add3A_498 = arith.addf %mul3A_496, %mul3A_497 : vector<16xf32>
        %mul3A_499 = arith.mulf %mul3A_496, %mul3A_497 : vector<16xf32>
        %sub3A_500 = arith.subf %add3A_498, %mul3A_499 : vector<16xf32>
        %swap3A_501 = arith.index_cast %scan3A_401 : i32 to index
        %swap3A_502 = arith.constant 48 : index
        %swap3A_503 = tpu.vector_load %arg7[%swap3A_501, %swap3A_502] {strides = array<i32>} : memref<64x128xf32, #tpu.memory_space<vmem>>, vector<1x16xf32>,
        %swap3A_504 = vector.shape_cast %swap3A_503 : vector<1x16xf32> to vector<16xf32>
        %swap3A_505 = vector.shape_cast %sub3A_500 : vector<16xf32> to vector<1x16xf32>
        tpu.vector_store %arg7[%swap3A_501, %swap3A_502], %swap3A_505 {strides = array<i32>} : memref<64x128xf32, #tpu.memory_space<vmem>>, vector<1x16xf32>,
        %sub3A_506 = arith.subf %get3A_495, %mul3A_497 : vector<16xf32>
        %max3A_507 = arith.maximumf %scan3A_411, %sub3A_506 : vector<16xf32>
        %min3A_508 = arith.minimumf %scan3A_411, %sub3A_506 : vector<16xf32>
        %max3A_509 = arith.maximumf %scan3A_412, %min3A_508 : vector<16xf32>
        %min3A_510 = arith.minimumf %scan3A_412, %min3A_508 : vector<16xf32>
        %max3A_511 = arith.maximumf %scan3A_413, %min3A_510 : vector<16xf32>
        %get3A_512 = arith.index_cast %scan3A_401 : i32 to index
        %get3A_513 = arith.constant 64 : index
        %get3A_514 = tpu.vector_load %arg7[%get3A_512, %get3A_513] {strides = array<i32>} : memref<64x128xf32, #tpu.memory_space<vmem>>, vector<1x16xf32>,
        %get3A_515 = vector.shape_cast %get3A_514 : vector<1x16xf32> to vector<16xf32>
        %mul3A_516 = arith.mulf %get3A_515, %sub3A_37 : vector<16xf32>
        %mul3A_517 = arith.mulf %get3A_515, %sub3A_433 : vector<16xf32>
        %add3A_518 = arith.addf %mul3A_516, %mul3A_517 : vector<16xf32>
        %mul3A_519 = arith.mulf %mul3A_516, %mul3A_517 : vector<16xf32>
        %sub3A_520 = arith.subf %add3A_518, %mul3A_519 : vector<16xf32>
        %swap3A_521 = arith.index_cast %scan3A_401 : i32 to index
        %swap3A_522 = arith.constant 64 : index
        %swap3A_523 = tpu.vector_load %arg7[%swap3A_521, %swap3A_522] {strides = array<i32>} : memref<64x128xf32, #tpu.memory_space<vmem>>, vector<1x16xf32>,
        %swap3A_524 = vector.shape_cast %swap3A_523 : vector<1x16xf32> to vector<16xf32>
        %swap3A_525 = vector.shape_cast %sub3A_520 : vector<16xf32> to vector<1x16xf32>
        tpu.vector_store %arg7[%swap3A_521, %swap3A_522], %swap3A_525 {strides = array<i32>} : memref<64x128xf32, #tpu.memory_space<vmem>>, vector<1x16xf32>,
        %sub3A_526 = arith.subf %get3A_515, %mul3A_517 : vector<16xf32>
        %max3A_527 = arith.maximumf %scan3A_414, %sub3A_526 : vector<16xf32>
        %min3A_528 = arith.minimumf %scan3A_414, %sub3A_526 : vector<16xf32>
        %max3A_529 = arith.maximumf %scan3A_415, %min3A_528 : vector<16xf32>
        %min3A_530 = arith.minimumf %scan3A_415, %min3A_528 : vector<16xf32>
        %max3A_531 = arith.maximumf %scan3A_416, %min3A_530 : vector<16xf32>
        %get3A_532 = arith.index_cast %scan3A_401 : i32 to index
        %get3A_533 = arith.constant 80 : index
        %get3A_534 = tpu.vector_load %arg7[%get3A_532, %get3A_533] {strides = array<i32>} : memref<64x128xf32, #tpu.memory_space<vmem>>, vector<1x16xf32>,
        %get3A_535 = vector.shape_cast %get3A_534 : vector<1x16xf32> to vector<16xf32>
        %mul3A_536 = arith.mulf %get3A_535, %sub3A_43 : vector<16xf32>
        %mul3A_537 = arith.mulf %get3A_535, %sub3A_433 : vector<16xf32>
        %add3A_538 = arith.addf %mul3A_536, %mul3A_537 : vector<16xf32>
        %mul3A_539 = arith.mulf %mul3A_536, %mul3A_537 : vector<16xf32>
        %sub3A_540 = arith.subf %add3A_538, %mul3A_539 : vector<16xf32>
        %swap3A_541 = arith.index_cast %scan3A_401 : i32 to index
        %swap3A_542 = arith.constant 80 : index
        %swap3A_543 = tpu.vector_load %arg7[%swap3A_541, %swap3A_542] {strides = array<i32>} : memref<64x128xf32, #tpu.memory_space<vmem>>, vector<1x16xf32>,
        %swap3A_544 = vector.shape_cast %swap3A_543 : vector<1x16xf32> to vector<16xf32>
        %swap3A_545 = vector.shape_cast %sub3A_540 : vector<16xf32> to vector<1x16xf32>
        tpu.vector_store %arg7[%swap3A_541, %swap3A_542], %swap3A_545 {strides = array<i32>} : memref<64x128xf32, #tpu.memory_space<vmem>>, vector<1x16xf32>,
        %sub3A_546 = arith.subf %get3A_535, %mul3A_537 : vector<16xf32>
        %max3A_547 = arith.maximumf %scan3A_417, %sub3A_546 : vector<16xf32>
        %min3A_548 = arith.minimumf %scan3A_417, %sub3A_546 : vector<16xf32>
        %max3A_549 = arith.maximumf %scan3A_418, %min3A_548 : vector<16xf32>
        %min3A_550 = arith.minimumf %scan3A_418, %min3A_548 : vector<16xf32>
        %max3A_551 = arith.maximumf %scan3A_419, %min3A_550 : vector<16xf32>
        %get3A_552 = arith.index_cast %scan3A_401 : i32 to index
        %get3A_553 = arith.constant 96 : index
        %get3A_554 = tpu.vector_load %arg7[%get3A_552, %get3A_553] {strides = array<i32>} : memref<64x128xf32, #tpu.memory_space<vmem>>, vector<1x16xf32>,
        %get3A_555 = vector.shape_cast %get3A_554 : vector<1x16xf32> to vector<16xf32>
        %mul3A_556 = arith.mulf %get3A_555, %sub3A_49 : vector<16xf32>
        %mul3A_557 = arith.mulf %get3A_555, %sub3A_433 : vector<16xf32>
        %add3A_558 = arith.addf %mul3A_556, %mul3A_557 : vector<16xf32>
        %mul3A_559 = arith.mulf %mul3A_556, %mul3A_557 : vector<16xf32>
        %sub3A_560 = arith.subf %add3A_558, %mul3A_559 : vector<16xf32>
        %swap3A_561 = arith.index_cast %scan3A_401 : i32 to index
        %swap3A_562 = arith.constant 96 : index
        %swap3A_563 = tpu.vector_load %arg7[%swap3A_561, %swap3A_562] {strides = array<i32>} : memref<64x128xf32, #tpu.memory_space<vmem>>, vector<1x16xf32>,
        %swap3A_564 = vector.shape_cast %swap3A_563 : vector<1x16xf32> to vector<16xf32>
        %swap3A_565 = vector.shape_cast %sub3A_560 : vector<16xf32> to vector<1x16xf32>
        tpu.vector_store %arg7[%swap3A_561, %swap3A_562], %swap3A_565 {strides = array<i32>} : memref<64x128xf32, #tpu.memory_space<vmem>>, vector<1x16xf32>,
        %sub3A_566 = arith.subf %get3A_555, %mul3A_557 : vector<16xf32>
        %max3A_567 = arith.maximumf %scan3A_420, %sub3A_566 : vector<16xf32>
        %min3A_568 = arith.minimumf %scan3A_420, %sub3A_566 : vector<16xf32>
        %max3A_569 = arith.maximumf %scan3A_421, %min3A_568 : vector<16xf32>
        %min3A_570 = arith.minimumf %scan3A_421, %min3A_568 : vector<16xf32>
        %max3A_571 = arith.maximumf %scan3A_422, %min3A_570 : vector<16xf32>
        %get3A_572 = arith.index_cast %scan3A_401 : i32 to index
        %get3A_573 = arith.constant 112 : index
        %get3A_574 = tpu.vector_load %arg7[%get3A_572, %get3A_573] {strides = array<i32>} : memref<64x128xf32, #tpu.memory_space<vmem>>, vector<1x16xf32>,
        %get3A_575 = vector.shape_cast %get3A_574 : vector<1x16xf32> to vector<16xf32>
        %mul3A_576 = arith.mulf %get3A_575, %sub3A_55 : vector<16xf32>
        %mul3A_577 = arith.mulf %get3A_575, %sub3A_433 : vector<16xf32>
        %add3A_578 = arith.addf %mul3A_576, %mul3A_577 : vector<16xf32>
        %mul3A_579 = arith.mulf %mul3A_576, %mul3A_577 : vector<16xf32>
        %sub3A_580 = arith.subf %add3A_578, %mul3A_579 : vector<16xf32>
        %swap3A_581 = arith.index_cast %scan3A_401 : i32 to index
        %swap3A_582 = arith.constant 112 : index
        %swap3A_583 = tpu.vector_load %arg7[%swap3A_581, %swap3A_582] {strides = array<i32>} : memref<64x128xf32, #tpu.memory_space<vmem>>, vector<1x16xf32>,
        %swap3A_584 = vector.shape_cast %swap3A_583 : vector<1x16xf32> to vector<16xf32>
        %swap3A_585 = vector.shape_cast %sub3A_580 : vector<16xf32> to vector<1x16xf32>
        tpu.vector_store %arg7[%swap3A_581, %swap3A_582], %swap3A_585 {strides = array<i32>} : memref<64x128xf32, #tpu.memory_space<vmem>>, vector<1x16xf32>,
        %sub3A_586 = arith.subf %get3A_575, %mul3A_577 : vector<16xf32>
        %max3A_587 = arith.maximumf %scan3A_423, %sub3A_586 : vector<16xf32>
        %min3A_588 = arith.minimumf %scan3A_423, %sub3A_586 : vector<16xf32>
        %max3A_589 = arith.maximumf %scan3A_424, %min3A_588 : vector<16xf32>
        %min3A_590 = arith.minimumf %scan3A_424, %min3A_588 : vector<16xf32>
        %max3A_591 = arith.maximumf %scan3A_425, %min3A_590 : vector<16xf32>
        scf.yield %max3A, %max3A_449, %max3A_451, %max3A_467, %max3A_469, %max3A_471, %max3A_487, %max3A_489, %max3A_491, %max3A_507, %max3A_509, %max3A_511, %max3A_527, %max3A_529, %max3A_531, %max3A_547, %max3A_549, %max3A_551, %max3A_567, %max3A_569, %max3A_571, %max3A_587, %max3A_589, %max3A_591 : vector<16xf32>, vector<16xf32>, vector<16xf32>, vector<16xf32>, vector<16xf32>, vector<16xf32>, vector<16xf32>, vector<16xf32>, vector<16xf32>, vector<16xf32>, vector<16xf32>, vector<16xf32>, vector<16xf32>, vector<16xf32>, vector<16xf32>, vector<16xf32>, vector<16xf32>, vector<16xf32>, vector<16xf32>, vector<16xf32>, vector<16xf32>, vector<16xf32>, vector<16xf32>, vector<16xf32>
      }
      %scan3A_308 = arith.constant 64 : i32
      %mul3A_309 = arith.constant 64 : i32
      %mul3A_310 = arith.muli %add3A_288, %mul3A_309 : i32
      %dma_start3A_311 = tpu.memref_slice %arg6[%mul3A_310, %mul3A_2] : memref<4096x4096xf32, #tpu.memory_space<hbm>> -> memref<64x128xf32, #tpu.memory_space<hbm>>
      %dma_start3A_312 = tpu.memref_slice %arg6[%mul3A_310, %mul3A_2] : memref<4096x4096xf32, #tpu.memory_space<hbm>> -> memref<64x128xf32, #tpu.memory_space<hbm>>
      tpu.enqueue_dma source(%arg7 : memref<64x128xf32, #tpu.memory_space<vmem>>) target(%dma_start3A_312 : memref<64x128xf32, #tpu.memory_space<hbm>>) target_semaphore(%arg18 : memref<!tpu.dma_semaphore, #tpu.memory_space<semaphore_mem>>)
      %mul3A_313 = arith.constant 4 : i32
      %mul3A_314 = arith.muli %mul3A_313, %scan3A_260 : i32
      %add3A_315 = arith.constant 1 : i32
      %add3A_316 = arith.addi %mul3A_314, %add3A_315 : i32
      %mul3A_317 = arith.constant 64 : i32
      %mul3A_318 = arith.muli %add3A_316, %mul3A_317 : i32
      %dma_wait3A_319 = tpu.memref_slice %arg2[%mul3A_318, %mul3A_2] : memref<4096x4096xf32, #tpu.memory_space<hbm>> -> memref<64x128xf32, #tpu.memory_space<hbm>>
      %dma_wait3A_320 = tpu.memref_slice %arg2[%mul3A_318, %mul3A_2] : memref<4096x4096xf32, #tpu.memory_space<hbm>> -> memref<64x128xf32, #tpu.memory_space<hbm>>
      tpu.wait_dma2 semaphore(%arg15 : memref<!tpu.dma_semaphore, #tpu.memory_space<semaphore_mem>>) src(%dma_wait3A_320 : memref<64x128xf32, #tpu.memory_space<hbm>>) dst(%arg8 : memref<64x128xf32, #tpu.memory_space<vmem>>)
      %ge3A_321 = arith.constant 1 : i32
      %ge3A_322 = arith.cmpi sge, %scan3A_260, %ge3A_321 : i32
      %convert_element_type3A_323 = arith.extui %ge3A_322 : i1 to i32
      %cond3A_324 = arith.constant 0 : i32
      %cond3A_325 = arith.cmpi ne, %convert_element_type3A_323, %cond3A_324 : i32
      scf.if %cond3A_325 {
        %dma_wait3A_401 = arith.constant 0 : i32
        %dma_wait3A_402 = tpu.memref_slice %arg6[%dma_wait3A_401, %mul3A_2] : memref<4096x4096xf32, #tpu.memory_space<hbm>> -> memref<64x128xf32, #tpu.memory_space<hbm>>
        %dma_wait3A_403 = arith.constant 0 : i32
        %dma_wait3A_404 = tpu.memref_slice %arg6[%dma_wait3A_403, %mul3A_2] : memref<4096x4096xf32, #tpu.memory_space<hbm>> -> memref<64x128xf32, #tpu.memory_space<hbm>>
        tpu.wait_dma2 semaphore(%arg21 : memref<!tpu.dma_semaphore, #tpu.memory_space<semaphore_mem>>) src(%arg10 : memref<64x128xf32, #tpu.memory_space<vmem>>) dst(%dma_wait3A_404 : memref<64x128xf32, #tpu.memory_space<hbm>>)
      } else {
      }
      %add3A_326 = arith.constant 2 : i32
      %add3A_327 = arith.addi %add3A_316, %add3A_326 : i32
      %mul3A_328 = arith.constant 64 : i32
      %mul3A_329 = arith.muli %add3A_327, %mul3A_328 : i32
      %dma_start3A_330 = tpu.memref_slice %arg2[%mul3A_329, %mul3A_2] : memref<4096x4096xf32, #tpu.memory_space<hbm>> -> memref<64x128xf32, #tpu.memory_space<hbm>>
      %dma_start3A_331 = tpu.memref_slice %arg2[%mul3A_329, %mul3A_2] : memref<4096x4096xf32, #tpu.memory_space<hbm>> -> memref<64x128xf32, #tpu.memory_space<hbm>>
      tpu.enqueue_dma source(%dma_start3A_331 : memref<64x128xf32, #tpu.memory_space<hbm>>) target(%arg10 : memref<64x128xf32, #tpu.memory_space<vmem>>) target_semaphore(%arg17 : memref<!tpu.dma_semaphore, #tpu.memory_space<semaphore_mem>>)
      %mul3A_332 = arith.constant 64 : i32
      %mul3A_333 = arith.muli %add3A_316, %mul3A_332 : i32
      %scan3A_334 = arith.constant 0 : i32
      %scan3A_335 = arith.constant 64 : i32
      %scan3A_336 = arith.addi %scan3A_334, %scan3A_335 : i32
      %scan3A_337 = arith.constant 1 : i32
      %scan3A_338:24 = scf.for %scan3A_401 = %scan3A_334 to %scan3A_336 step %scan3A_337 iter_args(%scan3A_402 = %scan3A_307#0, %scan3A_403 = %scan3A_307#1, %scan3A_404 = %scan3A_307#2, %scan3A_405 = %scan3A_307#3, %scan3A_406 = %scan3A_307#4, %scan3A_407 = %scan3A_307#5, %scan3A_408 = %scan3A_307#6, %scan3A_409 = %scan3A_307#7, %scan3A_410 = %scan3A_307#8, %scan3A_411 = %scan3A_307#9, %scan3A_412 = %scan3A_307#10, %scan3A_413 = %scan3A_307#11, %scan3A_414 = %scan3A_307#12, %scan3A_415 = %scan3A_307#13, %scan3A_416 = %scan3A_307#14, %scan3A_417 = %scan3A_307#15, %scan3A_418 = %scan3A_307#16, %scan3A_419 = %scan3A_307#17, %scan3A_420 = %scan3A_307#18, %scan3A_421 = %scan3A_307#19, %scan3A_422 = %scan3A_307#20, %scan3A_423 = %scan3A_307#21, %scan3A_424 = %scan3A_307#22, %scan3A_425 = %scan3A_307#23) -> (vector<16xf32>, vector<16xf32>, vector<16xf32>, vector<16xf32>, vector<16xf32>, vector<16xf32>, vector<16xf32>, vector<16xf32>, vector<16xf32>, vector<16xf32>, vector<16xf32>, vector<16xf32>, vector<16xf32>, vector<16xf32>, vector<16xf32>, vector<16xf32>, vector<16xf32>, vector<16xf32>, vector<16xf32>, vector<16xf32>, vector<16xf32>, vector<16xf32>, vector<16xf32>, vector<16xf32>)  : i32 {
        %add3A_426 = arith.addi %mul3A_333, %scan3A_401 : i32
        %get3A_427 = arith.index_cast %add3A_426 : i32 to index
        %get3A_428 = arith.constant 0 : index
        %get3A_429 = tpu.vector_load %arg11[%get3A_427, %get3A_428] {strides = array<i32>} : memref<4096x16xf32, #tpu.memory_space<vmem>>, vector<1x16xf32>,
        %get3A_430 = vector.shape_cast %get3A_429 : vector<1x16xf32> to vector<16xf32>
        %sub3A_431 = arith.constant 1.000000e+00 : f32
        %sub3A_432 = vector.broadcast %sub3A_431 : f32 to vector<16xf32>
        %sub3A_433 = arith.subf %sub3A_432, %get3A_430 : vector<16xf32>
        %get3A_434 = arith.index_cast %scan3A_401 : i32 to index
        %get3A_435 = arith.constant 0 : index
        %get3A_436 = tpu.vector_load %arg8[%get3A_434, %get3A_435] {strides = array<i32>} : memref<64x128xf32, #tpu.memory_space<vmem>>, vector<1x16xf32>,
        %get3A_437 = vector.shape_cast %get3A_436 : vector<1x16xf32> to vector<16xf32>
        %mul3A_438 = arith.mulf %get3A_437, %sub3A_13 : vector<16xf32>
        %mul3A_439 = arith.mulf %get3A_437, %sub3A_433 : vector<16xf32>
        %add3A_440 = arith.addf %mul3A_438, %mul3A_439 : vector<16xf32>
        %mul3A_441 = arith.mulf %mul3A_438, %mul3A_439 : vector<16xf32>
        %sub3A_442 = arith.subf %add3A_440, %mul3A_441 : vector<16xf32>
        %swap3A_443 = arith.index_cast %scan3A_401 : i32 to index
        %swap3A_444 = arith.constant 0 : index
        %swap3A_445 = tpu.vector_load %arg8[%swap3A_443, %swap3A_444] {strides = array<i32>} : memref<64x128xf32, #tpu.memory_space<vmem>>, vector<1x16xf32>,
        %swap3A_446 = vector.shape_cast %swap3A_445 : vector<1x16xf32> to vector<16xf32>
        %swap3A_447 = vector.shape_cast %sub3A_442 : vector<16xf32> to vector<1x16xf32>
        tpu.vector_store %arg8[%swap3A_443, %swap3A_444], %swap3A_447 {strides = array<i32>} : memref<64x128xf32, #tpu.memory_space<vmem>>, vector<1x16xf32>,
        %sub3A_448 = arith.subf %get3A_437, %mul3A_439 : vector<16xf32>
        %max3A = arith.maximumf %scan3A_402, %sub3A_448 : vector<16xf32>
        %min3A = arith.minimumf %scan3A_402, %sub3A_448 : vector<16xf32>
        %max3A_449 = arith.maximumf %scan3A_403, %min3A : vector<16xf32>
        %min3A_450 = arith.minimumf %scan3A_403, %min3A : vector<16xf32>
        %max3A_451 = arith.maximumf %scan3A_404, %min3A_450 : vector<16xf32>
        %get3A_452 = arith.index_cast %scan3A_401 : i32 to index
        %get3A_453 = arith.constant 16 : index
        %get3A_454 = tpu.vector_load %arg8[%get3A_452, %get3A_453] {strides = array<i32>} : memref<64x128xf32, #tpu.memory_space<vmem>>, vector<1x16xf32>,
        %get3A_455 = vector.shape_cast %get3A_454 : vector<1x16xf32> to vector<16xf32>
        %mul3A_456 = arith.mulf %get3A_455, %sub3A_19 : vector<16xf32>
        %mul3A_457 = arith.mulf %get3A_455, %sub3A_433 : vector<16xf32>
        %add3A_458 = arith.addf %mul3A_456, %mul3A_457 : vector<16xf32>
        %mul3A_459 = arith.mulf %mul3A_456, %mul3A_457 : vector<16xf32>
        %sub3A_460 = arith.subf %add3A_458, %mul3A_459 : vector<16xf32>
        %swap3A_461 = arith.index_cast %scan3A_401 : i32 to index
        %swap3A_462 = arith.constant 16 : index
        %swap3A_463 = tpu.vector_load %arg8[%swap3A_461, %swap3A_462] {strides = array<i32>} : memref<64x128xf32, #tpu.memory_space<vmem>>, vector<1x16xf32>,
        %swap3A_464 = vector.shape_cast %swap3A_463 : vector<1x16xf32> to vector<16xf32>
        %swap3A_465 = vector.shape_cast %sub3A_460 : vector<16xf32> to vector<1x16xf32>
        tpu.vector_store %arg8[%swap3A_461, %swap3A_462], %swap3A_465 {strides = array<i32>} : memref<64x128xf32, #tpu.memory_space<vmem>>, vector<1x16xf32>,
        %sub3A_466 = arith.subf %get3A_455, %mul3A_457 : vector<16xf32>
        %max3A_467 = arith.maximumf %scan3A_405, %sub3A_466 : vector<16xf32>
        %min3A_468 = arith.minimumf %scan3A_405, %sub3A_466 : vector<16xf32>
        %max3A_469 = arith.maximumf %scan3A_406, %min3A_468 : vector<16xf32>
        %min3A_470 = arith.minimumf %scan3A_406, %min3A_468 : vector<16xf32>
        %max3A_471 = arith.maximumf %scan3A_407, %min3A_470 : vector<16xf32>
        %get3A_472 = arith.index_cast %scan3A_401 : i32 to index
        %get3A_473 = arith.constant 32 : index
        %get3A_474 = tpu.vector_load %arg8[%get3A_472, %get3A_473] {strides = array<i32>} : memref<64x128xf32, #tpu.memory_space<vmem>>, vector<1x16xf32>,
        %get3A_475 = vector.shape_cast %get3A_474 : vector<1x16xf32> to vector<16xf32>
        %mul3A_476 = arith.mulf %get3A_475, %sub3A_25 : vector<16xf32>
        %mul3A_477 = arith.mulf %get3A_475, %sub3A_433 : vector<16xf32>
        %add3A_478 = arith.addf %mul3A_476, %mul3A_477 : vector<16xf32>
        %mul3A_479 = arith.mulf %mul3A_476, %mul3A_477 : vector<16xf32>
        %sub3A_480 = arith.subf %add3A_478, %mul3A_479 : vector<16xf32>
        %swap3A_481 = arith.index_cast %scan3A_401 : i32 to index
        %swap3A_482 = arith.constant 32 : index
        %swap3A_483 = tpu.vector_load %arg8[%swap3A_481, %swap3A_482] {strides = array<i32>} : memref<64x128xf32, #tpu.memory_space<vmem>>, vector<1x16xf32>,
        %swap3A_484 = vector.shape_cast %swap3A_483 : vector<1x16xf32> to vector<16xf32>
        %swap3A_485 = vector.shape_cast %sub3A_480 : vector<16xf32> to vector<1x16xf32>
        tpu.vector_store %arg8[%swap3A_481, %swap3A_482], %swap3A_485 {strides = array<i32>} : memref<64x128xf32, #tpu.memory_space<vmem>>, vector<1x16xf32>,
        %sub3A_486 = arith.subf %get3A_475, %mul3A_477 : vector<16xf32>
        %max3A_487 = arith.maximumf %scan3A_408, %sub3A_486 : vector<16xf32>
        %min3A_488 = arith.minimumf %scan3A_408, %sub3A_486 : vector<16xf32>
        %max3A_489 = arith.maximumf %scan3A_409, %min3A_488 : vector<16xf32>
        %min3A_490 = arith.minimumf %scan3A_409, %min3A_488 : vector<16xf32>
        %max3A_491 = arith.maximumf %scan3A_410, %min3A_490 : vector<16xf32>
        %get3A_492 = arith.index_cast %scan3A_401 : i32 to index
        %get3A_493 = arith.constant 48 : index
        %get3A_494 = tpu.vector_load %arg8[%get3A_492, %get3A_493] {strides = array<i32>} : memref<64x128xf32, #tpu.memory_space<vmem>>, vector<1x16xf32>,
        %get3A_495 = vector.shape_cast %get3A_494 : vector<1x16xf32> to vector<16xf32>
        %mul3A_496 = arith.mulf %get3A_495, %sub3A_31 : vector<16xf32>
        %mul3A_497 = arith.mulf %get3A_495, %sub3A_433 : vector<16xf32>
        %add3A_498 = arith.addf %mul3A_496, %mul3A_497 : vector<16xf32>
        %mul3A_499 = arith.mulf %mul3A_496, %mul3A_497 : vector<16xf32>
        %sub3A_500 = arith.subf %add3A_498, %mul3A_499 : vector<16xf32>
        %swap3A_501 = arith.index_cast %scan3A_401 : i32 to index
        %swap3A_502 = arith.constant 48 : index
        %swap3A_503 = tpu.vector_load %arg8[%swap3A_501, %swap3A_502] {strides = array<i32>} : memref<64x128xf32, #tpu.memory_space<vmem>>, vector<1x16xf32>,
        %swap3A_504 = vector.shape_cast %swap3A_503 : vector<1x16xf32> to vector<16xf32>
        %swap3A_505 = vector.shape_cast %sub3A_500 : vector<16xf32> to vector<1x16xf32>
        tpu.vector_store %arg8[%swap3A_501, %swap3A_502], %swap3A_505 {strides = array<i32>} : memref<64x128xf32, #tpu.memory_space<vmem>>, vector<1x16xf32>,
        %sub3A_506 = arith.subf %get3A_495, %mul3A_497 : vector<16xf32>
        %max3A_507 = arith.maximumf %scan3A_411, %sub3A_506 : vector<16xf32>
        %min3A_508 = arith.minimumf %scan3A_411, %sub3A_506 : vector<16xf32>
        %max3A_509 = arith.maximumf %scan3A_412, %min3A_508 : vector<16xf32>
        %min3A_510 = arith.minimumf %scan3A_412, %min3A_508 : vector<16xf32>
        %max3A_511 = arith.maximumf %scan3A_413, %min3A_510 : vector<16xf32>
        %get3A_512 = arith.index_cast %scan3A_401 : i32 to index
        %get3A_513 = arith.constant 64 : index
        %get3A_514 = tpu.vector_load %arg8[%get3A_512, %get3A_513] {strides = array<i32>} : memref<64x128xf32, #tpu.memory_space<vmem>>, vector<1x16xf32>,
        %get3A_515 = vector.shape_cast %get3A_514 : vector<1x16xf32> to vector<16xf32>
        %mul3A_516 = arith.mulf %get3A_515, %sub3A_37 : vector<16xf32>
        %mul3A_517 = arith.mulf %get3A_515, %sub3A_433 : vector<16xf32>
        %add3A_518 = arith.addf %mul3A_516, %mul3A_517 : vector<16xf32>
        %mul3A_519 = arith.mulf %mul3A_516, %mul3A_517 : vector<16xf32>
        %sub3A_520 = arith.subf %add3A_518, %mul3A_519 : vector<16xf32>
        %swap3A_521 = arith.index_cast %scan3A_401 : i32 to index
        %swap3A_522 = arith.constant 64 : index
        %swap3A_523 = tpu.vector_load %arg8[%swap3A_521, %swap3A_522] {strides = array<i32>} : memref<64x128xf32, #tpu.memory_space<vmem>>, vector<1x16xf32>,
        %swap3A_524 = vector.shape_cast %swap3A_523 : vector<1x16xf32> to vector<16xf32>
        %swap3A_525 = vector.shape_cast %sub3A_520 : vector<16xf32> to vector<1x16xf32>
        tpu.vector_store %arg8[%swap3A_521, %swap3A_522], %swap3A_525 {strides = array<i32>} : memref<64x128xf32, #tpu.memory_space<vmem>>, vector<1x16xf32>,
        %sub3A_526 = arith.subf %get3A_515, %mul3A_517 : vector<16xf32>
        %max3A_527 = arith.maximumf %scan3A_414, %sub3A_526 : vector<16xf32>
        %min3A_528 = arith.minimumf %scan3A_414, %sub3A_526 : vector<16xf32>
        %max3A_529 = arith.maximumf %scan3A_415, %min3A_528 : vector<16xf32>
        %min3A_530 = arith.minimumf %scan3A_415, %min3A_528 : vector<16xf32>
        %max3A_531 = arith.maximumf %scan3A_416, %min3A_530 : vector<16xf32>
        %get3A_532 = arith.index_cast %scan3A_401 : i32 to index
        %get3A_533 = arith.constant 80 : index
        %get3A_534 = tpu.vector_load %arg8[%get3A_532, %get3A_533] {strides = array<i32>} : memref<64x128xf32, #tpu.memory_space<vmem>>, vector<1x16xf32>,
        %get3A_535 = vector.shape_cast %get3A_534 : vector<1x16xf32> to vector<16xf32>
        %mul3A_536 = arith.mulf %get3A_535, %sub3A_43 : vector<16xf32>
        %mul3A_537 = arith.mulf %get3A_535, %sub3A_433 : vector<16xf32>
        %add3A_538 = arith.addf %mul3A_536, %mul3A_537 : vector<16xf32>
        %mul3A_539 = arith.mulf %mul3A_536, %mul3A_537 : vector<16xf32>
        %sub3A_540 = arith.subf %add3A_538, %mul3A_539 : vector<16xf32>
        %swap3A_541 = arith.index_cast %scan3A_401 : i32 to index
        %swap3A_542 = arith.constant 80 : index
        %swap3A_543 = tpu.vector_load %arg8[%swap3A_541, %swap3A_542] {strides = array<i32>} : memref<64x128xf32, #tpu.memory_space<vmem>>, vector<1x16xf32>,
        %swap3A_544 = vector.shape_cast %swap3A_543 : vector<1x16xf32> to vector<16xf32>
        %swap3A_545 = vector.shape_cast %sub3A_540 : vector<16xf32> to vector<1x16xf32>
        tpu.vector_store %arg8[%swap3A_541, %swap3A_542], %swap3A_545 {strides = array<i32>} : memref<64x128xf32, #tpu.memory_space<vmem>>, vector<1x16xf32>,
        %sub3A_546 = arith.subf %get3A_535, %mul3A_537 : vector<16xf32>
        %max3A_547 = arith.maximumf %scan3A_417, %sub3A_546 : vector<16xf32>
        %min3A_548 = arith.minimumf %scan3A_417, %sub3A_546 : vector<16xf32>
        %max3A_549 = arith.maximumf %scan3A_418, %min3A_548 : vector<16xf32>
        %min3A_550 = arith.minimumf %scan3A_418, %min3A_548 : vector<16xf32>
        %max3A_551 = arith.maximumf %scan3A_419, %min3A_550 : vector<16xf32>
        %get3A_552 = arith.index_cast %scan3A_401 : i32 to index
        %get3A_553 = arith.constant 96 : index
        %get3A_554 = tpu.vector_load %arg8[%get3A_552, %get3A_553] {strides = array<i32>} : memref<64x128xf32, #tpu.memory_space<vmem>>, vector<1x16xf32>,
        %get3A_555 = vector.shape_cast %get3A_554 : vector<1x16xf32> to vector<16xf32>
        %mul3A_556 = arith.mulf %get3A_555, %sub3A_49 : vector<16xf32>
        %mul3A_557 = arith.mulf %get3A_555, %sub3A_433 : vector<16xf32>
        %add3A_558 = arith.addf %mul3A_556, %mul3A_557 : vector<16xf32>
        %mul3A_559 = arith.mulf %mul3A_556, %mul3A_557 : vector<16xf32>
        %sub3A_560 = arith.subf %add3A_558, %mul3A_559 : vector<16xf32>
        %swap3A_561 = arith.index_cast %scan3A_401 : i32 to index
        %swap3A_562 = arith.constant 96 : index
        %swap3A_563 = tpu.vector_load %arg8[%swap3A_561, %swap3A_562] {strides = array<i32>} : memref<64x128xf32, #tpu.memory_space<vmem>>, vector<1x16xf32>,
        %swap3A_564 = vector.shape_cast %swap3A_563 : vector<1x16xf32> to vector<16xf32>
        %swap3A_565 = vector.shape_cast %sub3A_560 : vector<16xf32> to vector<1x16xf32>
        tpu.vector_store %arg8[%swap3A_561, %swap3A_562], %swap3A_565 {strides = array<i32>} : memref<64x128xf32, #tpu.memory_space<vmem>>, vector<1x16xf32>,
        %sub3A_566 = arith.subf %get3A_555, %mul3A_557 : vector<16xf32>
        %max3A_567 = arith.maximumf %scan3A_420, %sub3A_566 : vector<16xf32>
        %min3A_568 = arith.minimumf %scan3A_420, %sub3A_566 : vector<16xf32>
        %max3A_569 = arith.maximumf %scan3A_421, %min3A_568 : vector<16xf32>
        %min3A_570 = arith.minimumf %scan3A_421, %min3A_568 : vector<16xf32>
        %max3A_571 = arith.maximumf %scan3A_422, %min3A_570 : vector<16xf32>
        %get3A_572 = arith.index_cast %scan3A_401 : i32 to index
        %get3A_573 = arith.constant 112 : index
        %get3A_574 = tpu.vector_load %arg8[%get3A_572, %get3A_573] {strides = array<i32>} : memref<64x128xf32, #tpu.memory_space<vmem>>, vector<1x16xf32>,
        %get3A_575 = vector.shape_cast %get3A_574 : vector<1x16xf32> to vector<16xf32>
        %mul3A_576 = arith.mulf %get3A_575, %sub3A_55 : vector<16xf32>
        %mul3A_577 = arith.mulf %get3A_575, %sub3A_433 : vector<16xf32>
        %add3A_578 = arith.addf %mul3A_576, %mul3A_577 : vector<16xf32>
        %mul3A_579 = arith.mulf %mul3A_576, %mul3A_577 : vector<16xf32>
        %sub3A_580 = arith.subf %add3A_578, %mul3A_579 : vector<16xf32>
        %swap3A_581 = arith.index_cast %scan3A_401 : i32 to index
        %swap3A_582 = arith.constant 112 : index
        %swap3A_583 = tpu.vector_load %arg8[%swap3A_581, %swap3A_582] {strides = array<i32>} : memref<64x128xf32, #tpu.memory_space<vmem>>, vector<1x16xf32>,
        %swap3A_584 = vector.shape_cast %swap3A_583 : vector<1x16xf32> to vector<16xf32>
        %swap3A_585 = vector.shape_cast %sub3A_580 : vector<16xf32> to vector<1x16xf32>
        tpu.vector_store %arg8[%swap3A_581, %swap3A_582], %swap3A_585 {strides = array<i32>} : memref<64x128xf32, #tpu.memory_space<vmem>>, vector<1x16xf32>,
        %sub3A_586 = arith.subf %get3A_575, %mul3A_577 : vector<16xf32>
        %max3A_587 = arith.maximumf %scan3A_423, %sub3A_586 : vector<16xf32>
        %min3A_588 = arith.minimumf %scan3A_423, %sub3A_586 : vector<16xf32>
        %max3A_589 = arith.maximumf %scan3A_424, %min3A_588 : vector<16xf32>
        %min3A_590 = arith.minimumf %scan3A_424, %min3A_588 : vector<16xf32>
        %max3A_591 = arith.maximumf %scan3A_425, %min3A_590 : vector<16xf32>
        scf.yield %max3A, %max3A_449, %max3A_451, %max3A_467, %max3A_469, %max3A_471, %max3A_487, %max3A_489, %max3A_491, %max3A_507, %max3A_509, %max3A_511, %max3A_527, %max3A_529, %max3A_531, %max3A_547, %max3A_549, %max3A_551, %max3A_567, %max3A_569, %max3A_571, %max3A_587, %max3A_589, %max3A_591 : vector<16xf32>, vector<16xf32>, vector<16xf32>, vector<16xf32>, vector<16xf32>, vector<16xf32>, vector<16xf32>, vector<16xf32>, vector<16xf32>, vector<16xf32>, vector<16xf32>, vector<16xf32>, vector<16xf32>, vector<16xf32>, vector<16xf32>, vector<16xf32>, vector<16xf32>, vector<16xf32>, vector<16xf32>, vector<16xf32>, vector<16xf32>, vector<16xf32>, vector<16xf32>, vector<16xf32>
      }
      %scan3A_339 = arith.constant 64 : i32
      %mul3A_340 = arith.constant 64 : i32
      %mul3A_341 = arith.muli %add3A_316, %mul3A_340 : i32
      %dma_start3A_342 = tpu.memref_slice %arg6[%mul3A_341, %mul3A_2] : memref<4096x4096xf32, #tpu.memory_space<hbm>> -> memref<64x128xf32, #tpu.memory_space<hbm>>
      %dma_start3A_343 = tpu.memref_slice %arg6[%mul3A_341, %mul3A_2] : memref<4096x4096xf32, #tpu.memory_space<hbm>> -> memref<64x128xf32, #tpu.memory_space<hbm>>
      tpu.enqueue_dma source(%arg8 : memref<64x128xf32, #tpu.memory_space<vmem>>) target(%dma_start3A_343 : memref<64x128xf32, #tpu.memory_space<hbm>>) target_semaphore(%arg19 : memref<!tpu.dma_semaphore, #tpu.memory_space<semaphore_mem>>)
      %mul3A_344 = arith.constant 4 : i32
      %mul3A_345 = arith.muli %mul3A_344, %scan3A_260 : i32
      %add3A_346 = arith.constant 2 : i32
      %add3A_347 = arith.addi %mul3A_345, %add3A_346 : i32
      %mul3A_348 = arith.constant 64 : i32
      %mul3A_349 = arith.muli %add3A_347, %mul3A_348 : i32
      %dma_wait3A_350 = tpu.memref_slice %arg2[%mul3A_349, %mul3A_2] : memref<4096x4096xf32, #tpu.memory_space<hbm>> -> memref<64x128xf32, #tpu.memory_space<hbm>>
      %dma_wait3A_351 = tpu.memref_slice %arg2[%mul3A_349, %mul3A_2] : memref<4096x4096xf32, #tpu.memory_space<hbm>> -> memref<64x128xf32, #tpu.memory_space<hbm>>
      tpu.wait_dma2 semaphore(%arg16 : memref<!tpu.dma_semaphore, #tpu.memory_space<semaphore_mem>>) src(%dma_wait3A_351 : memref<64x128xf32, #tpu.memory_space<hbm>>) dst(%arg9 : memref<64x128xf32, #tpu.memory_space<vmem>>)
      %dma_wait3A_352 = arith.constant 0 : i32
      %dma_wait3A_353 = tpu.memref_slice %arg6[%dma_wait3A_352, %mul3A_2] : memref<4096x4096xf32, #tpu.memory_space<hbm>> -> memref<64x128xf32, #tpu.memory_space<hbm>>
      %dma_wait3A_354 = arith.constant 0 : i32
      %dma_wait3A_355 = tpu.memref_slice %arg6[%dma_wait3A_354, %mul3A_2] : memref<4096x4096xf32, #tpu.memory_space<hbm>> -> memref<64x128xf32, #tpu.memory_space<hbm>>
      tpu.wait_dma2 semaphore(%arg18 : memref<!tpu.dma_semaphore, #tpu.memory_space<semaphore_mem>>) src(%arg7 : memref<64x128xf32, #tpu.memory_space<vmem>>) dst(%dma_wait3A_355 : memref<64x128xf32, #tpu.memory_space<hbm>>)
      %lt3A = arith.constant 15 : i32
      %lt3A_356 = arith.cmpi slt, %scan3A_260, %lt3A : i32
      %convert_element_type3A_357 = arith.extui %lt3A_356 : i1 to i32
      %cond3A_358 = arith.constant 0 : i32
      %cond3A_359 = arith.cmpi ne, %convert_element_type3A_357, %cond3A_358 : i32
      scf.if %cond3A_359 {
        %add3A_401 = arith.constant 2 : i32
        %add3A_402 = arith.addi %add3A_347, %add3A_401 : i32
        %mul3A_403 = arith.constant 64 : i32
        %mul3A_404 = arith.muli %add3A_402, %mul3A_403 : i32
        %dma_start3A_405 = tpu.memref_slice %arg2[%mul3A_404, %mul3A_2] : memref<4096x4096xf32, #tpu.memory_space<hbm>> -> memref<64x128xf32, #tpu.memory_space<hbm>>
        %dma_start3A_406 = tpu.memref_slice %arg2[%mul3A_404, %mul3A_2] : memref<4096x4096xf32, #tpu.memory_space<hbm>> -> memref<64x128xf32, #tpu.memory_space<hbm>>
        tpu.enqueue_dma source(%dma_start3A_406 : memref<64x128xf32, #tpu.memory_space<hbm>>) target(%arg7 : memref<64x128xf32, #tpu.memory_space<vmem>>) target_semaphore(%arg14 : memref<!tpu.dma_semaphore, #tpu.memory_space<semaphore_mem>>)
      } else {
      }
      %mul3A_360 = arith.constant 64 : i32
      %mul3A_361 = arith.muli %add3A_347, %mul3A_360 : i32
      %scan3A_362 = arith.constant 0 : i32
      %scan3A_363 = arith.constant 64 : i32
      %scan3A_364 = arith.addi %scan3A_362, %scan3A_363 : i32
      %scan3A_365 = arith.constant 1 : i32
      %scan3A_366:24 = scf.for %scan3A_401 = %scan3A_362 to %scan3A_364 step %scan3A_365 iter_args(%scan3A_402 = %scan3A_338#0, %scan3A_403 = %scan3A_338#1, %scan3A_404 = %scan3A_338#2, %scan3A_405 = %scan3A_338#3, %scan3A_406 = %scan3A_338#4, %scan3A_407 = %scan3A_338#5, %scan3A_408 = %scan3A_338#6, %scan3A_409 = %scan3A_338#7, %scan3A_410 = %scan3A_338#8, %scan3A_411 = %scan3A_338#9, %scan3A_412 = %scan3A_338#10, %scan3A_413 = %scan3A_338#11, %scan3A_414 = %scan3A_338#12, %scan3A_415 = %scan3A_338#13, %scan3A_416 = %scan3A_338#14, %scan3A_417 = %scan3A_338#15, %scan3A_418 = %scan3A_338#16, %scan3A_419 = %scan3A_338#17, %scan3A_420 = %scan3A_338#18, %scan3A_421 = %scan3A_338#19, %scan3A_422 = %scan3A_338#20, %scan3A_423 = %scan3A_338#21, %scan3A_424 = %scan3A_338#22, %scan3A_425 = %scan3A_338#23) -> (vector<16xf32>, vector<16xf32>, vector<16xf32>, vector<16xf32>, vector<16xf32>, vector<16xf32>, vector<16xf32>, vector<16xf32>, vector<16xf32>, vector<16xf32>, vector<16xf32>, vector<16xf32>, vector<16xf32>, vector<16xf32>, vector<16xf32>, vector<16xf32>, vector<16xf32>, vector<16xf32>, vector<16xf32>, vector<16xf32>, vector<16xf32>, vector<16xf32>, vector<16xf32>, vector<16xf32>)  : i32 {
        %add3A_426 = arith.addi %mul3A_361, %scan3A_401 : i32
        %get3A_427 = arith.index_cast %add3A_426 : i32 to index
        %get3A_428 = arith.constant 0 : index
        %get3A_429 = tpu.vector_load %arg11[%get3A_427, %get3A_428] {strides = array<i32>} : memref<4096x16xf32, #tpu.memory_space<vmem>>, vector<1x16xf32>,
        %get3A_430 = vector.shape_cast %get3A_429 : vector<1x16xf32> to vector<16xf32>
        %sub3A_431 = arith.constant 1.000000e+00 : f32
        %sub3A_432 = vector.broadcast %sub3A_431 : f32 to vector<16xf32>
        %sub3A_433 = arith.subf %sub3A_432, %get3A_430 : vector<16xf32>
        %get3A_434 = arith.index_cast %scan3A_401 : i32 to index
        %get3A_435 = arith.constant 0 : index
        %get3A_436 = tpu.vector_load %arg9[%get3A_434, %get3A_435] {strides = array<i32>} : memref<64x128xf32, #tpu.memory_space<vmem>>, vector<1x16xf32>,
        %get3A_437 = vector.shape_cast %get3A_436 : vector<1x16xf32> to vector<16xf32>
        %mul3A_438 = arith.mulf %get3A_437, %sub3A_13 : vector<16xf32>
        %mul3A_439 = arith.mulf %get3A_437, %sub3A_433 : vector<16xf32>
        %add3A_440 = arith.addf %mul3A_438, %mul3A_439 : vector<16xf32>
        %mul3A_441 = arith.mulf %mul3A_438, %mul3A_439 : vector<16xf32>
        %sub3A_442 = arith.subf %add3A_440, %mul3A_441 : vector<16xf32>
        %swap3A_443 = arith.index_cast %scan3A_401 : i32 to index
        %swap3A_444 = arith.constant 0 : index
        %swap3A_445 = tpu.vector_load %arg9[%swap3A_443, %swap3A_444] {strides = array<i32>} : memref<64x128xf32, #tpu.memory_space<vmem>>, vector<1x16xf32>,
        %swap3A_446 = vector.shape_cast %swap3A_445 : vector<1x16xf32> to vector<16xf32>
        %swap3A_447 = vector.shape_cast %sub3A_442 : vector<16xf32> to vector<1x16xf32>
        tpu.vector_store %arg9[%swap3A_443, %swap3A_444], %swap3A_447 {strides = array<i32>} : memref<64x128xf32, #tpu.memory_space<vmem>>, vector<1x16xf32>,
        %sub3A_448 = arith.subf %get3A_437, %mul3A_439 : vector<16xf32>
        %max3A = arith.maximumf %scan3A_402, %sub3A_448 : vector<16xf32>
        %min3A = arith.minimumf %scan3A_402, %sub3A_448 : vector<16xf32>
        %max3A_449 = arith.maximumf %scan3A_403, %min3A : vector<16xf32>
        %min3A_450 = arith.minimumf %scan3A_403, %min3A : vector<16xf32>
        %max3A_451 = arith.maximumf %scan3A_404, %min3A_450 : vector<16xf32>
        %get3A_452 = arith.index_cast %scan3A_401 : i32 to index
        %get3A_453 = arith.constant 16 : index
        %get3A_454 = tpu.vector_load %arg9[%get3A_452, %get3A_453] {strides = array<i32>} : memref<64x128xf32, #tpu.memory_space<vmem>>, vector<1x16xf32>,
        %get3A_455 = vector.shape_cast %get3A_454 : vector<1x16xf32> to vector<16xf32>
        %mul3A_456 = arith.mulf %get3A_455, %sub3A_19 : vector<16xf32>
        %mul3A_457 = arith.mulf %get3A_455, %sub3A_433 : vector<16xf32>
        %add3A_458 = arith.addf %mul3A_456, %mul3A_457 : vector<16xf32>
        %mul3A_459 = arith.mulf %mul3A_456, %mul3A_457 : vector<16xf32>
        %sub3A_460 = arith.subf %add3A_458, %mul3A_459 : vector<16xf32>
        %swap3A_461 = arith.index_cast %scan3A_401 : i32 to index
        %swap3A_462 = arith.constant 16 : index
        %swap3A_463 = tpu.vector_load %arg9[%swap3A_461, %swap3A_462] {strides = array<i32>} : memref<64x128xf32, #tpu.memory_space<vmem>>, vector<1x16xf32>,
        %swap3A_464 = vector.shape_cast %swap3A_463 : vector<1x16xf32> to vector<16xf32>
        %swap3A_465 = vector.shape_cast %sub3A_460 : vector<16xf32> to vector<1x16xf32>
        tpu.vector_store %arg9[%swap3A_461, %swap3A_462], %swap3A_465 {strides = array<i32>} : memref<64x128xf32, #tpu.memory_space<vmem>>, vector<1x16xf32>,
        %sub3A_466 = arith.subf %get3A_455, %mul3A_457 : vector<16xf32>
        %max3A_467 = arith.maximumf %scan3A_405, %sub3A_466 : vector<16xf32>
        %min3A_468 = arith.minimumf %scan3A_405, %sub3A_466 : vector<16xf32>
        %max3A_469 = arith.maximumf %scan3A_406, %min3A_468 : vector<16xf32>
        %min3A_470 = arith.minimumf %scan3A_406, %min3A_468 : vector<16xf32>
        %max3A_471 = arith.maximumf %scan3A_407, %min3A_470 : vector<16xf32>
        %get3A_472 = arith.index_cast %scan3A_401 : i32 to index
        %get3A_473 = arith.constant 32 : index
        %get3A_474 = tpu.vector_load %arg9[%get3A_472, %get3A_473] {strides = array<i32>} : memref<64x128xf32, #tpu.memory_space<vmem>>, vector<1x16xf32>,
        %get3A_475 = vector.shape_cast %get3A_474 : vector<1x16xf32> to vector<16xf32>
        %mul3A_476 = arith.mulf %get3A_475, %sub3A_25 : vector<16xf32>
        %mul3A_477 = arith.mulf %get3A_475, %sub3A_433 : vector<16xf32>
        %add3A_478 = arith.addf %mul3A_476, %mul3A_477 : vector<16xf32>
        %mul3A_479 = arith.mulf %mul3A_476, %mul3A_477 : vector<16xf32>
        %sub3A_480 = arith.subf %add3A_478, %mul3A_479 : vector<16xf32>
        %swap3A_481 = arith.index_cast %scan3A_401 : i32 to index
        %swap3A_482 = arith.constant 32 : index
        %swap3A_483 = tpu.vector_load %arg9[%swap3A_481, %swap3A_482] {strides = array<i32>} : memref<64x128xf32, #tpu.memory_space<vmem>>, vector<1x16xf32>,
        %swap3A_484 = vector.shape_cast %swap3A_483 : vector<1x16xf32> to vector<16xf32>
        %swap3A_485 = vector.shape_cast %sub3A_480 : vector<16xf32> to vector<1x16xf32>
        tpu.vector_store %arg9[%swap3A_481, %swap3A_482], %swap3A_485 {strides = array<i32>} : memref<64x128xf32, #tpu.memory_space<vmem>>, vector<1x16xf32>,
        %sub3A_486 = arith.subf %get3A_475, %mul3A_477 : vector<16xf32>
        %max3A_487 = arith.maximumf %scan3A_408, %sub3A_486 : vector<16xf32>
        %min3A_488 = arith.minimumf %scan3A_408, %sub3A_486 : vector<16xf32>
        %max3A_489 = arith.maximumf %scan3A_409, %min3A_488 : vector<16xf32>
        %min3A_490 = arith.minimumf %scan3A_409, %min3A_488 : vector<16xf32>
        %max3A_491 = arith.maximumf %scan3A_410, %min3A_490 : vector<16xf32>
        %get3A_492 = arith.index_cast %scan3A_401 : i32 to index
        %get3A_493 = arith.constant 48 : index
        %get3A_494 = tpu.vector_load %arg9[%get3A_492, %get3A_493] {strides = array<i32>} : memref<64x128xf32, #tpu.memory_space<vmem>>, vector<1x16xf32>,
        %get3A_495 = vector.shape_cast %get3A_494 : vector<1x16xf32> to vector<16xf32>
        %mul3A_496 = arith.mulf %get3A_495, %sub3A_31 : vector<16xf32>
        %mul3A_497 = arith.mulf %get3A_495, %sub3A_433 : vector<16xf32>
        %add3A_498 = arith.addf %mul3A_496, %mul3A_497 : vector<16xf32>
        %mul3A_499 = arith.mulf %mul3A_496, %mul3A_497 : vector<16xf32>
        %sub3A_500 = arith.subf %add3A_498, %mul3A_499 : vector<16xf32>
        %swap3A_501 = arith.index_cast %scan3A_401 : i32 to index
        %swap3A_502 = arith.constant 48 : index
        %swap3A_503 = tpu.vector_load %arg9[%swap3A_501, %swap3A_502] {strides = array<i32>} : memref<64x128xf32, #tpu.memory_space<vmem>>, vector<1x16xf32>,
        %swap3A_504 = vector.shape_cast %swap3A_503 : vector<1x16xf32> to vector<16xf32>
        %swap3A_505 = vector.shape_cast %sub3A_500 : vector<16xf32> to vector<1x16xf32>
        tpu.vector_store %arg9[%swap3A_501, %swap3A_502], %swap3A_505 {strides = array<i32>} : memref<64x128xf32, #tpu.memory_space<vmem>>, vector<1x16xf32>,
        %sub3A_506 = arith.subf %get3A_495, %mul3A_497 : vector<16xf32>
        %max3A_507 = arith.maximumf %scan3A_411, %sub3A_506 : vector<16xf32>
        %min3A_508 = arith.minimumf %scan3A_411, %sub3A_506 : vector<16xf32>
        %max3A_509 = arith.maximumf %scan3A_412, %min3A_508 : vector<16xf32>
        %min3A_510 = arith.minimumf %scan3A_412, %min3A_508 : vector<16xf32>
        %max3A_511 = arith.maximumf %scan3A_413, %min3A_510 : vector<16xf32>
        %get3A_512 = arith.index_cast %scan3A_401 : i32 to index
        %get3A_513 = arith.constant 64 : index
        %get3A_514 = tpu.vector_load %arg9[%get3A_512, %get3A_513] {strides = array<i32>} : memref<64x128xf32, #tpu.memory_space<vmem>>, vector<1x16xf32>,
        %get3A_515 = vector.shape_cast %get3A_514 : vector<1x16xf32> to vector<16xf32>
        %mul3A_516 = arith.mulf %get3A_515, %sub3A_37 : vector<16xf32>
        %mul3A_517 = arith.mulf %get3A_515, %sub3A_433 : vector<16xf32>
        %add3A_518 = arith.addf %mul3A_516, %mul3A_517 : vector<16xf32>
        %mul3A_519 = arith.mulf %mul3A_516, %mul3A_517 : vector<16xf32>
        %sub3A_520 = arith.subf %add3A_518, %mul3A_519 : vector<16xf32>
        %swap3A_521 = arith.index_cast %scan3A_401 : i32 to index
        %swap3A_522 = arith.constant 64 : index
        %swap3A_523 = tpu.vector_load %arg9[%swap3A_521, %swap3A_522] {strides = array<i32>} : memref<64x128xf32, #tpu.memory_space<vmem>>, vector<1x16xf32>,
        %swap3A_524 = vector.shape_cast %swap3A_523 : vector<1x16xf32> to vector<16xf32>
        %swap3A_525 = vector.shape_cast %sub3A_520 : vector<16xf32> to vector<1x16xf32>
        tpu.vector_store %arg9[%swap3A_521, %swap3A_522], %swap3A_525 {strides = array<i32>} : memref<64x128xf32, #tpu.memory_space<vmem>>, vector<1x16xf32>,
        %sub3A_526 = arith.subf %get3A_515, %mul3A_517 : vector<16xf32>
        %max3A_527 = arith.maximumf %scan3A_414, %sub3A_526 : vector<16xf32>
        %min3A_528 = arith.minimumf %scan3A_414, %sub3A_526 : vector<16xf32>
        %max3A_529 = arith.maximumf %scan3A_415, %min3A_528 : vector<16xf32>
        %min3A_530 = arith.minimumf %scan3A_415, %min3A_528 : vector<16xf32>
        %max3A_531 = arith.maximumf %scan3A_416, %min3A_530 : vector<16xf32>
        %get3A_532 = arith.index_cast %scan3A_401 : i32 to index
        %get3A_533 = arith.constant 80 : index
        %get3A_534 = tpu.vector_load %arg9[%get3A_532, %get3A_533] {strides = array<i32>} : memref<64x128xf32, #tpu.memory_space<vmem>>, vector<1x16xf32>,
        %get3A_535 = vector.shape_cast %get3A_534 : vector<1x16xf32> to vector<16xf32>
        %mul3A_536 = arith.mulf %get3A_535, %sub3A_43 : vector<16xf32>
        %mul3A_537 = arith.mulf %get3A_535, %sub3A_433 : vector<16xf32>
        %add3A_538 = arith.addf %mul3A_536, %mul3A_537 : vector<16xf32>
        %mul3A_539 = arith.mulf %mul3A_536, %mul3A_537 : vector<16xf32>
        %sub3A_540 = arith.subf %add3A_538, %mul3A_539 : vector<16xf32>
        %swap3A_541 = arith.index_cast %scan3A_401 : i32 to index
        %swap3A_542 = arith.constant 80 : index
        %swap3A_543 = tpu.vector_load %arg9[%swap3A_541, %swap3A_542] {strides = array<i32>} : memref<64x128xf32, #tpu.memory_space<vmem>>, vector<1x16xf32>,
        %swap3A_544 = vector.shape_cast %swap3A_543 : vector<1x16xf32> to vector<16xf32>
        %swap3A_545 = vector.shape_cast %sub3A_540 : vector<16xf32> to vector<1x16xf32>
        tpu.vector_store %arg9[%swap3A_541, %swap3A_542], %swap3A_545 {strides = array<i32>} : memref<64x128xf32, #tpu.memory_space<vmem>>, vector<1x16xf32>,
        %sub3A_546 = arith.subf %get3A_535, %mul3A_537 : vector<16xf32>
        %max3A_547 = arith.maximumf %scan3A_417, %sub3A_546 : vector<16xf32>
        %min3A_548 = arith.minimumf %scan3A_417, %sub3A_546 : vector<16xf32>
        %max3A_549 = arith.maximumf %scan3A_418, %min3A_548 : vector<16xf32>
        %min3A_550 = arith.minimumf %scan3A_418, %min3A_548 : vector<16xf32>
        %max3A_551 = arith.maximumf %scan3A_419, %min3A_550 : vector<16xf32>
        %get3A_552 = arith.index_cast %scan3A_401 : i32 to index
        %get3A_553 = arith.constant 96 : index
        %get3A_554 = tpu.vector_load %arg9[%get3A_552, %get3A_553] {strides = array<i32>} : memref<64x128xf32, #tpu.memory_space<vmem>>, vector<1x16xf32>,
        %get3A_555 = vector.shape_cast %get3A_554 : vector<1x16xf32> to vector<16xf32>
        %mul3A_556 = arith.mulf %get3A_555, %sub3A_49 : vector<16xf32>
        %mul3A_557 = arith.mulf %get3A_555, %sub3A_433 : vector<16xf32>
        %add3A_558 = arith.addf %mul3A_556, %mul3A_557 : vector<16xf32>
        %mul3A_559 = arith.mulf %mul3A_556, %mul3A_557 : vector<16xf32>
        %sub3A_560 = arith.subf %add3A_558, %mul3A_559 : vector<16xf32>
        %swap3A_561 = arith.index_cast %scan3A_401 : i32 to index
        %swap3A_562 = arith.constant 96 : index
        %swap3A_563 = tpu.vector_load %arg9[%swap3A_561, %swap3A_562] {strides = array<i32>} : memref<64x128xf32, #tpu.memory_space<vmem>>, vector<1x16xf32>,
        %swap3A_564 = vector.shape_cast %swap3A_563 : vector<1x16xf32> to vector<16xf32>
        %swap3A_565 = vector.shape_cast %sub3A_560 : vector<16xf32> to vector<1x16xf32>
        tpu.vector_store %arg9[%swap3A_561, %swap3A_562], %swap3A_565 {strides = array<i32>} : memref<64x128xf32, #tpu.memory_space<vmem>>, vector<1x16xf32>,
        %sub3A_566 = arith.subf %get3A_555, %mul3A_557 : vector<16xf32>
        %max3A_567 = arith.maximumf %scan3A_420, %sub3A_566 : vector<16xf32>
        %min3A_568 = arith.minimumf %scan3A_420, %sub3A_566 : vector<16xf32>
        %max3A_569 = arith.maximumf %scan3A_421, %min3A_568 : vector<16xf32>
        %min3A_570 = arith.minimumf %scan3A_421, %min3A_568 : vector<16xf32>
        %max3A_571 = arith.maximumf %scan3A_422, %min3A_570 : vector<16xf32>
        %get3A_572 = arith.index_cast %scan3A_401 : i32 to index
        %get3A_573 = arith.constant 112 : index
        %get3A_574 = tpu.vector_load %arg9[%get3A_572, %get3A_573] {strides = array<i32>} : memref<64x128xf32, #tpu.memory_space<vmem>>, vector<1x16xf32>,
        %get3A_575 = vector.shape_cast %get3A_574 : vector<1x16xf32> to vector<16xf32>
        %mul3A_576 = arith.mulf %get3A_575, %sub3A_55 : vector<16xf32>
        %mul3A_577 = arith.mulf %get3A_575, %sub3A_433 : vector<16xf32>
        %add3A_578 = arith.addf %mul3A_576, %mul3A_577 : vector<16xf32>
        %mul3A_579 = arith.mulf %mul3A_576, %mul3A_577 : vector<16xf32>
        %sub3A_580 = arith.subf %add3A_578, %mul3A_579 : vector<16xf32>
        %swap3A_581 = arith.index_cast %scan3A_401 : i32 to index
        %swap3A_582 = arith.constant 112 : index
        %swap3A_583 = tpu.vector_load %arg9[%swap3A_581, %swap3A_582] {strides = array<i32>} : memref<64x128xf32, #tpu.memory_space<vmem>>, vector<1x16xf32>,
        %swap3A_584 = vector.shape_cast %swap3A_583 : vector<1x16xf32> to vector<16xf32>
        %swap3A_585 = vector.shape_cast %sub3A_580 : vector<16xf32> to vector<1x16xf32>
        tpu.vector_store %arg9[%swap3A_581, %swap3A_582], %swap3A_585 {strides = array<i32>} : memref<64x128xf32, #tpu.memory_space<vmem>>, vector<1x16xf32>,
        %sub3A_586 = arith.subf %get3A_575, %mul3A_577 : vector<16xf32>
        %max3A_587 = arith.maximumf %scan3A_423, %sub3A_586 : vector<16xf32>
        %min3A_588 = arith.minimumf %scan3A_423, %sub3A_586 : vector<16xf32>
        %max3A_589 = arith.maximumf %scan3A_424, %min3A_588 : vector<16xf32>
        %min3A_590 = arith.minimumf %scan3A_424, %min3A_588 : vector<16xf32>
        %max3A_591 = arith.maximumf %scan3A_425, %min3A_590 : vector<16xf32>
        scf.yield %max3A, %max3A_449, %max3A_451, %max3A_467, %max3A_469, %max3A_471, %max3A_487, %max3A_489, %max3A_491, %max3A_507, %max3A_509, %max3A_511, %max3A_527, %max3A_529, %max3A_531, %max3A_547, %max3A_549, %max3A_551, %max3A_567, %max3A_569, %max3A_571, %max3A_587, %max3A_589, %max3A_591 : vector<16xf32>, vector<16xf32>, vector<16xf32>, vector<16xf32>, vector<16xf32>, vector<16xf32>, vector<16xf32>, vector<16xf32>, vector<16xf32>, vector<16xf32>, vector<16xf32>, vector<16xf32>, vector<16xf32>, vector<16xf32>, vector<16xf32>, vector<16xf32>, vector<16xf32>, vector<16xf32>, vector<16xf32>, vector<16xf32>, vector<16xf32>, vector<16xf32>, vector<16xf32>, vector<16xf32>
      }
      %scan3A_367 = arith.constant 64 : i32
      %mul3A_368 = arith.constant 64 : i32
      %mul3A_369 = arith.muli %add3A_347, %mul3A_368 : i32
      %dma_start3A_370 = tpu.memref_slice %arg6[%mul3A_369, %mul3A_2] : memref<4096x4096xf32, #tpu.memory_space<hbm>> -> memref<64x128xf32, #tpu.memory_space<hbm>>
      %dma_start3A_371 = tpu.memref_slice %arg6[%mul3A_369, %mul3A_2] : memref<4096x4096xf32, #tpu.memory_space<hbm>> -> memref<64x128xf32, #tpu.memory_space<hbm>>
      tpu.enqueue_dma source(%arg9 : memref<64x128xf32, #tpu.memory_space<vmem>>) target(%dma_start3A_371 : memref<64x128xf32, #tpu.memory_space<hbm>>) target_semaphore(%arg20 : memref<!tpu.dma_semaphore, #tpu.memory_space<semaphore_mem>>)
      %mul3A_372 = arith.constant 4 : i32
      %mul3A_373 = arith.muli %mul3A_372, %scan3A_260 : i32
      %add3A_374 = arith.constant 3 : i32
      %add3A_375 = arith.addi %mul3A_373, %add3A_374 : i32
      %mul3A_376 = arith.constant 64 : i32
      %mul3A_377 = arith.muli %add3A_375, %mul3A_376 : i32
      %dma_wait3A_378 = tpu.memref_slice %arg2[%mul3A_377, %mul3A_2] : memref<4096x4096xf32, #tpu.memory_space<hbm>> -> memref<64x128xf32, #tpu.memory_space<hbm>>
      %dma_wait3A_379 = tpu.memref_slice %arg2[%mul3A_377, %mul3A_2] : memref<4096x4096xf32, #tpu.memory_space<hbm>> -> memref<64x128xf32, #tpu.memory_space<hbm>>
      tpu.wait_dma2 semaphore(%arg17 : memref<!tpu.dma_semaphore, #tpu.memory_space<semaphore_mem>>) src(%dma_wait3A_379 : memref<64x128xf32, #tpu.memory_space<hbm>>) dst(%arg10 : memref<64x128xf32, #tpu.memory_space<vmem>>)
      %dma_wait3A_380 = arith.constant 0 : i32
      %dma_wait3A_381 = tpu.memref_slice %arg6[%dma_wait3A_380, %mul3A_2] : memref<4096x4096xf32, #tpu.memory_space<hbm>> -> memref<64x128xf32, #tpu.memory_space<hbm>>
      %dma_wait3A_382 = arith.constant 0 : i32
      %dma_wait3A_383 = tpu.memref_slice %arg6[%dma_wait3A_382, %mul3A_2] : memref<4096x4096xf32, #tpu.memory_space<hbm>> -> memref<64x128xf32, #tpu.memory_space<hbm>>
      tpu.wait_dma2 semaphore(%arg19 : memref<!tpu.dma_semaphore, #tpu.memory_space<semaphore_mem>>) src(%arg8 : memref<64x128xf32, #tpu.memory_space<vmem>>) dst(%dma_wait3A_383 : memref<64x128xf32, #tpu.memory_space<hbm>>)
      %lt3A_384 = arith.constant 15 : i32
      %lt3A_385 = arith.cmpi slt, %scan3A_260, %lt3A_384 : i32
      %convert_element_type3A_386 = arith.extui %lt3A_385 : i1 to i32
      %cond3A_387 = arith.constant 0 : i32
      %cond3A_388 = arith.cmpi ne, %convert_element_type3A_386, %cond3A_387 : i32
      scf.if %cond3A_388 {
        %add3A_401 = arith.constant 2 : i32
        %add3A_402 = arith.addi %add3A_375, %add3A_401 : i32
        %mul3A_403 = arith.constant 64 : i32
        %mul3A_404 = arith.muli %add3A_402, %mul3A_403 : i32
        %dma_start3A_405 = tpu.memref_slice %arg2[%mul3A_404, %mul3A_2] : memref<4096x4096xf32, #tpu.memory_space<hbm>> -> memref<64x128xf32, #tpu.memory_space<hbm>>
        %dma_start3A_406 = tpu.memref_slice %arg2[%mul3A_404, %mul3A_2] : memref<4096x4096xf32, #tpu.memory_space<hbm>> -> memref<64x128xf32, #tpu.memory_space<hbm>>
        tpu.enqueue_dma source(%dma_start3A_406 : memref<64x128xf32, #tpu.memory_space<hbm>>) target(%arg8 : memref<64x128xf32, #tpu.memory_space<vmem>>) target_semaphore(%arg15 : memref<!tpu.dma_semaphore, #tpu.memory_space<semaphore_mem>>)
      } else {
      }
      %mul3A_389 = arith.constant 64 : i32
      %mul3A_390 = arith.muli %add3A_375, %mul3A_389 : i32
      %scan3A_391 = arith.constant 0 : i32
      %scan3A_392 = arith.constant 64 : i32
      %scan3A_393 = arith.addi %scan3A_391, %scan3A_392 : i32
      %scan3A_394 = arith.constant 1 : i32
      %scan3A_395:24 = scf.for %scan3A_401 = %scan3A_391 to %scan3A_393 step %scan3A_394 iter_args(%scan3A_402 = %scan3A_366#0, %scan3A_403 = %scan3A_366#1, %scan3A_404 = %scan3A_366#2, %scan3A_405 = %scan3A_366#3, %scan3A_406 = %scan3A_366#4, %scan3A_407 = %scan3A_366#5, %scan3A_408 = %scan3A_366#6, %scan3A_409 = %scan3A_366#7, %scan3A_410 = %scan3A_366#8, %scan3A_411 = %scan3A_366#9, %scan3A_412 = %scan3A_366#10, %scan3A_413 = %scan3A_366#11, %scan3A_414 = %scan3A_366#12, %scan3A_415 = %scan3A_366#13, %scan3A_416 = %scan3A_366#14, %scan3A_417 = %scan3A_366#15, %scan3A_418 = %scan3A_366#16, %scan3A_419 = %scan3A_366#17, %scan3A_420 = %scan3A_366#18, %scan3A_421 = %scan3A_366#19, %scan3A_422 = %scan3A_366#20, %scan3A_423 = %scan3A_366#21, %scan3A_424 = %scan3A_366#22, %scan3A_425 = %scan3A_366#23) -> (vector<16xf32>, vector<16xf32>, vector<16xf32>, vector<16xf32>, vector<16xf32>, vector<16xf32>, vector<16xf32>, vector<16xf32>, vector<16xf32>, vector<16xf32>, vector<16xf32>, vector<16xf32>, vector<16xf32>, vector<16xf32>, vector<16xf32>, vector<16xf32>, vector<16xf32>, vector<16xf32>, vector<16xf32>, vector<16xf32>, vector<16xf32>, vector<16xf32>, vector<16xf32>, vector<16xf32>)  : i32 {
        %add3A_426 = arith.addi %mul3A_390, %scan3A_401 : i32
        %get3A_427 = arith.index_cast %add3A_426 : i32 to index
        %get3A_428 = arith.constant 0 : index
        %get3A_429 = tpu.vector_load %arg11[%get3A_427, %get3A_428] {strides = array<i32>} : memref<4096x16xf32, #tpu.memory_space<vmem>>, vector<1x16xf32>,
        %get3A_430 = vector.shape_cast %get3A_429 : vector<1x16xf32> to vector<16xf32>
        %sub3A_431 = arith.constant 1.000000e+00 : f32
        %sub3A_432 = vector.broadcast %sub3A_431 : f32 to vector<16xf32>
        %sub3A_433 = arith.subf %sub3A_432, %get3A_430 : vector<16xf32>
        %get3A_434 = arith.index_cast %scan3A_401 : i32 to index
        %get3A_435 = arith.constant 0 : index
        %get3A_436 = tpu.vector_load %arg10[%get3A_434, %get3A_435] {strides = array<i32>} : memref<64x128xf32, #tpu.memory_space<vmem>>, vector<1x16xf32>,
        %get3A_437 = vector.shape_cast %get3A_436 : vector<1x16xf32> to vector<16xf32>
        %mul3A_438 = arith.mulf %get3A_437, %sub3A_13 : vector<16xf32>
        %mul3A_439 = arith.mulf %get3A_437, %sub3A_433 : vector<16xf32>
        %add3A_440 = arith.addf %mul3A_438, %mul3A_439 : vector<16xf32>
        %mul3A_441 = arith.mulf %mul3A_438, %mul3A_439 : vector<16xf32>
        %sub3A_442 = arith.subf %add3A_440, %mul3A_441 : vector<16xf32>
        %swap3A_443 = arith.index_cast %scan3A_401 : i32 to index
        %swap3A_444 = arith.constant 0 : index
        %swap3A_445 = tpu.vector_load %arg10[%swap3A_443, %swap3A_444] {strides = array<i32>} : memref<64x128xf32, #tpu.memory_space<vmem>>, vector<1x16xf32>,
        %swap3A_446 = vector.shape_cast %swap3A_445 : vector<1x16xf32> to vector<16xf32>
        %swap3A_447 = vector.shape_cast %sub3A_442 : vector<16xf32> to vector<1x16xf32>
        tpu.vector_store %arg10[%swap3A_443, %swap3A_444], %swap3A_447 {strides = array<i32>} : memref<64x128xf32, #tpu.memory_space<vmem>>, vector<1x16xf32>,
        %sub3A_448 = arith.subf %get3A_437, %mul3A_439 : vector<16xf32>
        %max3A = arith.maximumf %scan3A_402, %sub3A_448 : vector<16xf32>
        %min3A = arith.minimumf %scan3A_402, %sub3A_448 : vector<16xf32>
        %max3A_449 = arith.maximumf %scan3A_403, %min3A : vector<16xf32>
        %min3A_450 = arith.minimumf %scan3A_403, %min3A : vector<16xf32>
        %max3A_451 = arith.maximumf %scan3A_404, %min3A_450 : vector<16xf32>
        %get3A_452 = arith.index_cast %scan3A_401 : i32 to index
        %get3A_453 = arith.constant 16 : index
        %get3A_454 = tpu.vector_load %arg10[%get3A_452, %get3A_453] {strides = array<i32>} : memref<64x128xf32, #tpu.memory_space<vmem>>, vector<1x16xf32>,
        %get3A_455 = vector.shape_cast %get3A_454 : vector<1x16xf32> to vector<16xf32>
        %mul3A_456 = arith.mulf %get3A_455, %sub3A_19 : vector<16xf32>
        %mul3A_457 = arith.mulf %get3A_455, %sub3A_433 : vector<16xf32>
        %add3A_458 = arith.addf %mul3A_456, %mul3A_457 : vector<16xf32>
        %mul3A_459 = arith.mulf %mul3A_456, %mul3A_457 : vector<16xf32>
        %sub3A_460 = arith.subf %add3A_458, %mul3A_459 : vector<16xf32>
        %swap3A_461 = arith.index_cast %scan3A_401 : i32 to index
        %swap3A_462 = arith.constant 16 : index
        %swap3A_463 = tpu.vector_load %arg10[%swap3A_461, %swap3A_462] {strides = array<i32>} : memref<64x128xf32, #tpu.memory_space<vmem>>, vector<1x16xf32>,
        %swap3A_464 = vector.shape_cast %swap3A_463 : vector<1x16xf32> to vector<16xf32>
        %swap3A_465 = vector.shape_cast %sub3A_460 : vector<16xf32> to vector<1x16xf32>
        tpu.vector_store %arg10[%swap3A_461, %swap3A_462], %swap3A_465 {strides = array<i32>} : memref<64x128xf32, #tpu.memory_space<vmem>>, vector<1x16xf32>,
        %sub3A_466 = arith.subf %get3A_455, %mul3A_457 : vector<16xf32>
        %max3A_467 = arith.maximumf %scan3A_405, %sub3A_466 : vector<16xf32>
        %min3A_468 = arith.minimumf %scan3A_405, %sub3A_466 : vector<16xf32>
        %max3A_469 = arith.maximumf %scan3A_406, %min3A_468 : vector<16xf32>
        %min3A_470 = arith.minimumf %scan3A_406, %min3A_468 : vector<16xf32>
        %max3A_471 = arith.maximumf %scan3A_407, %min3A_470 : vector<16xf32>
        %get3A_472 = arith.index_cast %scan3A_401 : i32 to index
        %get3A_473 = arith.constant 32 : index
        %get3A_474 = tpu.vector_load %arg10[%get3A_472, %get3A_473] {strides = array<i32>} : memref<64x128xf32, #tpu.memory_space<vmem>>, vector<1x16xf32>,
        %get3A_475 = vector.shape_cast %get3A_474 : vector<1x16xf32> to vector<16xf32>
        %mul3A_476 = arith.mulf %get3A_475, %sub3A_25 : vector<16xf32>
        %mul3A_477 = arith.mulf %get3A_475, %sub3A_433 : vector<16xf32>
        %add3A_478 = arith.addf %mul3A_476, %mul3A_477 : vector<16xf32>
        %mul3A_479 = arith.mulf %mul3A_476, %mul3A_477 : vector<16xf32>
        %sub3A_480 = arith.subf %add3A_478, %mul3A_479 : vector<16xf32>
        %swap3A_481 = arith.index_cast %scan3A_401 : i32 to index
        %swap3A_482 = arith.constant 32 : index
        %swap3A_483 = tpu.vector_load %arg10[%swap3A_481, %swap3A_482] {strides = array<i32>} : memref<64x128xf32, #tpu.memory_space<vmem>>, vector<1x16xf32>,
        %swap3A_484 = vector.shape_cast %swap3A_483 : vector<1x16xf32> to vector<16xf32>
        %swap3A_485 = vector.shape_cast %sub3A_480 : vector<16xf32> to vector<1x16xf32>
        tpu.vector_store %arg10[%swap3A_481, %swap3A_482], %swap3A_485 {strides = array<i32>} : memref<64x128xf32, #tpu.memory_space<vmem>>, vector<1x16xf32>,
        %sub3A_486 = arith.subf %get3A_475, %mul3A_477 : vector<16xf32>
        %max3A_487 = arith.maximumf %scan3A_408, %sub3A_486 : vector<16xf32>
        %min3A_488 = arith.minimumf %scan3A_408, %sub3A_486 : vector<16xf32>
        %max3A_489 = arith.maximumf %scan3A_409, %min3A_488 : vector<16xf32>
        %min3A_490 = arith.minimumf %scan3A_409, %min3A_488 : vector<16xf32>
        %max3A_491 = arith.maximumf %scan3A_410, %min3A_490 : vector<16xf32>
        %get3A_492 = arith.index_cast %scan3A_401 : i32 to index
        %get3A_493 = arith.constant 48 : index
        %get3A_494 = tpu.vector_load %arg10[%get3A_492, %get3A_493] {strides = array<i32>} : memref<64x128xf32, #tpu.memory_space<vmem>>, vector<1x16xf32>,
        %get3A_495 = vector.shape_cast %get3A_494 : vector<1x16xf32> to vector<16xf32>
        %mul3A_496 = arith.mulf %get3A_495, %sub3A_31 : vector<16xf32>
        %mul3A_497 = arith.mulf %get3A_495, %sub3A_433 : vector<16xf32>
        %add3A_498 = arith.addf %mul3A_496, %mul3A_497 : vector<16xf32>
        %mul3A_499 = arith.mulf %mul3A_496, %mul3A_497 : vector<16xf32>
        %sub3A_500 = arith.subf %add3A_498, %mul3A_499 : vector<16xf32>
        %swap3A_501 = arith.index_cast %scan3A_401 : i32 to index
        %swap3A_502 = arith.constant 48 : index
        %swap3A_503 = tpu.vector_load %arg10[%swap3A_501, %swap3A_502] {strides = array<i32>} : memref<64x128xf32, #tpu.memory_space<vmem>>, vector<1x16xf32>,
        %swap3A_504 = vector.shape_cast %swap3A_503 : vector<1x16xf32> to vector<16xf32>
        %swap3A_505 = vector.shape_cast %sub3A_500 : vector<16xf32> to vector<1x16xf32>
        tpu.vector_store %arg10[%swap3A_501, %swap3A_502], %swap3A_505 {strides = array<i32>} : memref<64x128xf32, #tpu.memory_space<vmem>>, vector<1x16xf32>,
        %sub3A_506 = arith.subf %get3A_495, %mul3A_497 : vector<16xf32>
        %max3A_507 = arith.maximumf %scan3A_411, %sub3A_506 : vector<16xf32>
        %min3A_508 = arith.minimumf %scan3A_411, %sub3A_506 : vector<16xf32>
        %max3A_509 = arith.maximumf %scan3A_412, %min3A_508 : vector<16xf32>
        %min3A_510 = arith.minimumf %scan3A_412, %min3A_508 : vector<16xf32>
        %max3A_511 = arith.maximumf %scan3A_413, %min3A_510 : vector<16xf32>
        %get3A_512 = arith.index_cast %scan3A_401 : i32 to index
        %get3A_513 = arith.constant 64 : index
        %get3A_514 = tpu.vector_load %arg10[%get3A_512, %get3A_513] {strides = array<i32>} : memref<64x128xf32, #tpu.memory_space<vmem>>, vector<1x16xf32>,
        %get3A_515 = vector.shape_cast %get3A_514 : vector<1x16xf32> to vector<16xf32>
        %mul3A_516 = arith.mulf %get3A_515, %sub3A_37 : vector<16xf32>
        %mul3A_517 = arith.mulf %get3A_515, %sub3A_433 : vector<16xf32>
        %add3A_518 = arith.addf %mul3A_516, %mul3A_517 : vector<16xf32>
        %mul3A_519 = arith.mulf %mul3A_516, %mul3A_517 : vector<16xf32>
        %sub3A_520 = arith.subf %add3A_518, %mul3A_519 : vector<16xf32>
        %swap3A_521 = arith.index_cast %scan3A_401 : i32 to index
        %swap3A_522 = arith.constant 64 : index
        %swap3A_523 = tpu.vector_load %arg10[%swap3A_521, %swap3A_522] {strides = array<i32>} : memref<64x128xf32, #tpu.memory_space<vmem>>, vector<1x16xf32>,
        %swap3A_524 = vector.shape_cast %swap3A_523 : vector<1x16xf32> to vector<16xf32>
        %swap3A_525 = vector.shape_cast %sub3A_520 : vector<16xf32> to vector<1x16xf32>
        tpu.vector_store %arg10[%swap3A_521, %swap3A_522], %swap3A_525 {strides = array<i32>} : memref<64x128xf32, #tpu.memory_space<vmem>>, vector<1x16xf32>,
        %sub3A_526 = arith.subf %get3A_515, %mul3A_517 : vector<16xf32>
        %max3A_527 = arith.maximumf %scan3A_414, %sub3A_526 : vector<16xf32>
        %min3A_528 = arith.minimumf %scan3A_414, %sub3A_526 : vector<16xf32>
        %max3A_529 = arith.maximumf %scan3A_415, %min3A_528 : vector<16xf32>
        %min3A_530 = arith.minimumf %scan3A_415, %min3A_528 : vector<16xf32>
        %max3A_531 = arith.maximumf %scan3A_416, %min3A_530 : vector<16xf32>
        %get3A_532 = arith.index_cast %scan3A_401 : i32 to index
        %get3A_533 = arith.constant 80 : index
        %get3A_534 = tpu.vector_load %arg10[%get3A_532, %get3A_533] {strides = array<i32>} : memref<64x128xf32, #tpu.memory_space<vmem>>, vector<1x16xf32>,
        %get3A_535 = vector.shape_cast %get3A_534 : vector<1x16xf32> to vector<16xf32>
        %mul3A_536 = arith.mulf %get3A_535, %sub3A_43 : vector<16xf32>
        %mul3A_537 = arith.mulf %get3A_535, %sub3A_433 : vector<16xf32>
        %add3A_538 = arith.addf %mul3A_536, %mul3A_537 : vector<16xf32>
        %mul3A_539 = arith.mulf %mul3A_536, %mul3A_537 : vector<16xf32>
        %sub3A_540 = arith.subf %add3A_538, %mul3A_539 : vector<16xf32>
        %swap3A_541 = arith.index_cast %scan3A_401 : i32 to index
        %swap3A_542 = arith.constant 80 : index
        %swap3A_543 = tpu.vector_load %arg10[%swap3A_541, %swap3A_542] {strides = array<i32>} : memref<64x128xf32, #tpu.memory_space<vmem>>, vector<1x16xf32>,
        %swap3A_544 = vector.shape_cast %swap3A_543 : vector<1x16xf32> to vector<16xf32>
        %swap3A_545 = vector.shape_cast %sub3A_540 : vector<16xf32> to vector<1x16xf32>
        tpu.vector_store %arg10[%swap3A_541, %swap3A_542], %swap3A_545 {strides = array<i32>} : memref<64x128xf32, #tpu.memory_space<vmem>>, vector<1x16xf32>,
        %sub3A_546 = arith.subf %get3A_535, %mul3A_537 : vector<16xf32>
        %max3A_547 = arith.maximumf %scan3A_417, %sub3A_546 : vector<16xf32>
        %min3A_548 = arith.minimumf %scan3A_417, %sub3A_546 : vector<16xf32>
        %max3A_549 = arith.maximumf %scan3A_418, %min3A_548 : vector<16xf32>
        %min3A_550 = arith.minimumf %scan3A_418, %min3A_548 : vector<16xf32>
        %max3A_551 = arith.maximumf %scan3A_419, %min3A_550 : vector<16xf32>
        %get3A_552 = arith.index_cast %scan3A_401 : i32 to index
        %get3A_553 = arith.constant 96 : index
        %get3A_554 = tpu.vector_load %arg10[%get3A_552, %get3A_553] {strides = array<i32>} : memref<64x128xf32, #tpu.memory_space<vmem>>, vector<1x16xf32>,
        %get3A_555 = vector.shape_cast %get3A_554 : vector<1x16xf32> to vector<16xf32>
        %mul3A_556 = arith.mulf %get3A_555, %sub3A_49 : vector<16xf32>
        %mul3A_557 = arith.mulf %get3A_555, %sub3A_433 : vector<16xf32>
        %add3A_558 = arith.addf %mul3A_556, %mul3A_557 : vector<16xf32>
        %mul3A_559 = arith.mulf %mul3A_556, %mul3A_557 : vector<16xf32>
        %sub3A_560 = arith.subf %add3A_558, %mul3A_559 : vector<16xf32>
        %swap3A_561 = arith.index_cast %scan3A_401 : i32 to index
        %swap3A_562 = arith.constant 96 : index
        %swap3A_563 = tpu.vector_load %arg10[%swap3A_561, %swap3A_562] {strides = array<i32>} : memref<64x128xf32, #tpu.memory_space<vmem>>, vector<1x16xf32>,
        %swap3A_564 = vector.shape_cast %swap3A_563 : vector<1x16xf32> to vector<16xf32>
        %swap3A_565 = vector.shape_cast %sub3A_560 : vector<16xf32> to vector<1x16xf32>
        tpu.vector_store %arg10[%swap3A_561, %swap3A_562], %swap3A_565 {strides = array<i32>} : memref<64x128xf32, #tpu.memory_space<vmem>>, vector<1x16xf32>,
        %sub3A_566 = arith.subf %get3A_555, %mul3A_557 : vector<16xf32>
        %max3A_567 = arith.maximumf %scan3A_420, %sub3A_566 : vector<16xf32>
        %min3A_568 = arith.minimumf %scan3A_420, %sub3A_566 : vector<16xf32>
        %max3A_569 = arith.maximumf %scan3A_421, %min3A_568 : vector<16xf32>
        %min3A_570 = arith.minimumf %scan3A_421, %min3A_568 : vector<16xf32>
        %max3A_571 = arith.maximumf %scan3A_422, %min3A_570 : vector<16xf32>
        %get3A_572 = arith.index_cast %scan3A_401 : i32 to index
        %get3A_573 = arith.constant 112 : index
        %get3A_574 = tpu.vector_load %arg10[%get3A_572, %get3A_573] {strides = array<i32>} : memref<64x128xf32, #tpu.memory_space<vmem>>, vector<1x16xf32>,
        %get3A_575 = vector.shape_cast %get3A_574 : vector<1x16xf32> to vector<16xf32>
        %mul3A_576 = arith.mulf %get3A_575, %sub3A_55 : vector<16xf32>
        %mul3A_577 = arith.mulf %get3A_575, %sub3A_433 : vector<16xf32>
        %add3A_578 = arith.addf %mul3A_576, %mul3A_577 : vector<16xf32>
        %mul3A_579 = arith.mulf %mul3A_576, %mul3A_577 : vector<16xf32>
        %sub3A_580 = arith.subf %add3A_578, %mul3A_579 : vector<16xf32>
        %swap3A_581 = arith.index_cast %scan3A_401 : i32 to index
        %swap3A_582 = arith.constant 112 : index
        %swap3A_583 = tpu.vector_load %arg10[%swap3A_581, %swap3A_582] {strides = array<i32>} : memref<64x128xf32, #tpu.memory_space<vmem>>, vector<1x16xf32>,
        %swap3A_584 = vector.shape_cast %swap3A_583 : vector<1x16xf32> to vector<16xf32>
        %swap3A_585 = vector.shape_cast %sub3A_580 : vector<16xf32> to vector<1x16xf32>
        tpu.vector_store %arg10[%swap3A_581, %swap3A_582], %swap3A_585 {strides = array<i32>} : memref<64x128xf32, #tpu.memory_space<vmem>>, vector<1x16xf32>,
        %sub3A_586 = arith.subf %get3A_575, %mul3A_577 : vector<16xf32>
        %max3A_587 = arith.maximumf %scan3A_423, %sub3A_586 : vector<16xf32>
        %min3A_588 = arith.minimumf %scan3A_423, %sub3A_586 : vector<16xf32>
        %max3A_589 = arith.maximumf %scan3A_424, %min3A_588 : vector<16xf32>
        %min3A_590 = arith.minimumf %scan3A_424, %min3A_588 : vector<16xf32>
        %max3A_591 = arith.maximumf %scan3A_425, %min3A_590 : vector<16xf32>
        scf.yield %max3A, %max3A_449, %max3A_451, %max3A_467, %max3A_469, %max3A_471, %max3A_487, %max3A_489, %max3A_491, %max3A_507, %max3A_509, %max3A_511, %max3A_527, %max3A_529, %max3A_531, %max3A_547, %max3A_549, %max3A_551, %max3A_567, %max3A_569, %max3A_571, %max3A_587, %max3A_589, %max3A_591 : vector<16xf32>, vector<16xf32>, vector<16xf32>, vector<16xf32>, vector<16xf32>, vector<16xf32>, vector<16xf32>, vector<16xf32>, vector<16xf32>, vector<16xf32>, vector<16xf32>, vector<16xf32>, vector<16xf32>, vector<16xf32>, vector<16xf32>, vector<16xf32>, vector<16xf32>, vector<16xf32>, vector<16xf32>, vector<16xf32>, vector<16xf32>, vector<16xf32>, vector<16xf32>, vector<16xf32>
      }
      %scan3A_396 = arith.constant 64 : i32
      %mul3A_397 = arith.constant 64 : i32
      %mul3A_398 = arith.muli %add3A_375, %mul3A_397 : i32
      %dma_start3A_399 = tpu.memref_slice %arg6[%mul3A_398, %mul3A_2] : memref<4096x4096xf32, #tpu.memory_space<hbm>> -> memref<64x128xf32, #tpu.memory_space<hbm>>
      %dma_start3A_400 = tpu.memref_slice %arg6[%mul3A_398, %mul3A_2] : memref<4096x4096xf32, #tpu.memory_space<hbm>> -> memref<64x128xf32, #tpu.memory_space<hbm>>
      tpu.enqueue_dma source(%arg10 : memref<64x128xf32, #tpu.memory_space<vmem>>) target(%dma_start3A_400 : memref<64x128xf32, #tpu.memory_space<hbm>>) target_semaphore(%arg21 : memref<!tpu.dma_semaphore, #tpu.memory_space<semaphore_mem>>)
      scf.yield %scan3A_395#0, %scan3A_395#1, %scan3A_395#2, %scan3A_395#3, %scan3A_395#4, %scan3A_395#5, %scan3A_395#6, %scan3A_395#7, %scan3A_395#8, %scan3A_395#9, %scan3A_395#10, %scan3A_395#11, %scan3A_395#12, %scan3A_395#13, %scan3A_395#14, %scan3A_395#15, %scan3A_395#16, %scan3A_395#17, %scan3A_395#18, %scan3A_395#19, %scan3A_395#20, %scan3A_395#21, %scan3A_395#22, %scan3A_395#23 : vector<16xf32>, vector<16xf32>, vector<16xf32>, vector<16xf32>, vector<16xf32>, vector<16xf32>, vector<16xf32>, vector<16xf32>, vector<16xf32>, vector<16xf32>, vector<16xf32>, vector<16xf32>, vector<16xf32>, vector<16xf32>, vector<16xf32>, vector<16xf32>, vector<16xf32>, vector<16xf32>, vector<16xf32>, vector<16xf32>, vector<16xf32>, vector<16xf32>, vector<16xf32>, vector<16xf32>
    }
    %scan3A_61 = arith.constant 16 : i32
    %dma_wait3A = arith.constant 0 : i32
    %dma_wait3A_62 = tpu.memref_slice %arg6[%dma_wait3A, %mul3A_2] : memref<4096x4096xf32, #tpu.memory_space<hbm>> -> memref<64x128xf32, #tpu.memory_space<hbm>>
    %dma_wait3A_63 = arith.constant 0 : i32
    %dma_wait3A_64 = tpu.memref_slice %arg6[%dma_wait3A_63, %mul3A_2] : memref<4096x4096xf32, #tpu.memory_space<hbm>> -> memref<64x128xf32, #tpu.memory_space<hbm>>
    tpu.wait_dma2 semaphore(%arg20 : memref<!tpu.dma_semaphore, #tpu.memory_space<semaphore_mem>>) src(%arg9 : memref<64x128xf32, #tpu.memory_space<vmem>>) dst(%dma_wait3A_64 : memref<64x128xf32, #tpu.memory_space<hbm>>)
    %dma_wait3A_65 = arith.constant 0 : i32
    %dma_wait3A_66 = tpu.memref_slice %arg6[%dma_wait3A_65, %mul3A_2] : memref<4096x4096xf32, #tpu.memory_space<hbm>> -> memref<64x128xf32, #tpu.memory_space<hbm>>
    %dma_wait3A_67 = arith.constant 0 : i32
    %dma_wait3A_68 = tpu.memref_slice %arg6[%dma_wait3A_67, %mul3A_2] : memref<4096x4096xf32, #tpu.memory_space<hbm>> -> memref<64x128xf32, #tpu.memory_space<hbm>>
    tpu.wait_dma2 semaphore(%arg21 : memref<!tpu.dma_semaphore, #tpu.memory_space<semaphore_mem>>) src(%arg10 : memref<64x128xf32, #tpu.memory_space<vmem>>) dst(%dma_wait3A_68 : memref<64x128xf32, #tpu.memory_space<hbm>>)
    %get3A_69 = arith.constant 0 : index
    %get3A_70 = tpu.vector_load %arg12[%get3A_69] {strides = array<i32>} : memref<128xf32, #tpu.memory_space<vmem>>, vector<16xf32>,
    %get3A_71 = vector.shape_cast %get3A_70 : vector<16xf32> to vector<16xf32>
    %mul3A_72 = arith.mulf %scan3A_60#0, %get3A_71 : vector<16xf32>
    %sub3A_73 = arith.constant 1.000000e+00 : f32
    %sub3A_74 = vector.broadcast %sub3A_73 : f32 to vector<16xf32>
    %sub3A_75 = arith.subf %sub3A_74, %mul3A_72 : vector<16xf32>
    %mul3A_76 = arith.mulf %scan3A_60#1, %get3A_71 : vector<16xf32>
    %sub3A_77 = arith.constant 1.000000e+00 : f32
    %sub3A_78 = vector.broadcast %sub3A_77 : f32 to vector<16xf32>
    %sub3A_79 = arith.subf %sub3A_78, %mul3A_76 : vector<16xf32>
    %mul3A_80 = arith.mulf %scan3A_60#2, %get3A_71 : vector<16xf32>
    %sub3A_81 = arith.constant 1.000000e+00 : f32
    %sub3A_82 = vector.broadcast %sub3A_81 : f32 to vector<16xf32>
    %sub3A_83 = arith.subf %sub3A_82, %mul3A_80 : vector<16xf32>
    %mul3A_84 = arith.mulf %sub3A_79, %sub3A_83 : vector<16xf32>
    %mul3A_85 = arith.mulf %sub3A_75, %mul3A_84 : vector<16xf32>
    %sub3A_86 = arith.constant 1.000000e+00 : f32
    %sub3A_87 = vector.broadcast %sub3A_86 : f32 to vector<16xf32>
    %sub3A_88 = arith.subf %sub3A_87, %mul3A_85 : vector<16xf32>
    %swap3A = arith.constant 0 : index
    %swap3A_89 = tpu.vector_load %arg13[%swap3A] {strides = array<i32>} : memref<128xf32, #tpu.memory_space<vmem>>, vector<16xf32>,
    %swap3A_90 = vector.shape_cast %swap3A_89 : vector<16xf32> to vector<16xf32>
    %swap3A_91 = vector.shape_cast %sub3A_88 : vector<16xf32> to vector<16xf32>
    tpu.vector_store %arg13[%swap3A], %swap3A_91 {strides = array<i32>} : memref<128xf32, #tpu.memory_space<vmem>>, vector<16xf32>,
    %get3A_92 = arith.constant 16 : index
    %get3A_93 = tpu.vector_load %arg12[%get3A_92] {strides = array<i32>} : memref<128xf32, #tpu.memory_space<vmem>>, vector<16xf32>,
    %get3A_94 = vector.shape_cast %get3A_93 : vector<16xf32> to vector<16xf32>
    %mul3A_95 = arith.mulf %scan3A_60#3, %get3A_94 : vector<16xf32>
    %sub3A_96 = arith.constant 1.000000e+00 : f32
    %sub3A_97 = vector.broadcast %sub3A_96 : f32 to vector<16xf32>
    %sub3A_98 = arith.subf %sub3A_97, %mul3A_95 : vector<16xf32>
    %mul3A_99 = arith.mulf %scan3A_60#4, %get3A_94 : vector<16xf32>
    %sub3A_100 = arith.constant 1.000000e+00 : f32
    %sub3A_101 = vector.broadcast %sub3A_100 : f32 to vector<16xf32>
    %sub3A_102 = arith.subf %sub3A_101, %mul3A_99 : vector<16xf32>
    %mul3A_103 = arith.mulf %scan3A_60#5, %get3A_94 : vector<16xf32>
    %sub3A_104 = arith.constant 1.000000e+00 : f32
    %sub3A_105 = vector.broadcast %sub3A_104 : f32 to vector<16xf32>
    %sub3A_106 = arith.subf %sub3A_105, %mul3A_103 : vector<16xf32>
    %mul3A_107 = arith.mulf %sub3A_102, %sub3A_106 : vector<16xf32>
    %mul3A_108 = arith.mulf %sub3A_98, %mul3A_107 : vector<16xf32>
    %sub3A_109 = arith.constant 1.000000e+00 : f32
    %sub3A_110 = vector.broadcast %sub3A_109 : f32 to vector<16xf32>
    %sub3A_111 = arith.subf %sub3A_110, %mul3A_108 : vector<16xf32>
    %swap3A_112 = arith.constant 16 : index
    %swap3A_113 = tpu.vector_load %arg13[%swap3A_112] {strides = array<i32>} : memref<128xf32, #tpu.memory_space<vmem>>, vector<16xf32>,
    %swap3A_114 = vector.shape_cast %swap3A_113 : vector<16xf32> to vector<16xf32>
    %swap3A_115 = vector.shape_cast %sub3A_111 : vector<16xf32> to vector<16xf32>
    tpu.vector_store %arg13[%swap3A_112], %swap3A_115 {strides = array<i32>} : memref<128xf32, #tpu.memory_space<vmem>>, vector<16xf32>,
    %get3A_116 = arith.constant 32 : index
    %get3A_117 = tpu.vector_load %arg12[%get3A_116] {strides = array<i32>} : memref<128xf32, #tpu.memory_space<vmem>>, vector<16xf32>,
    %get3A_118 = vector.shape_cast %get3A_117 : vector<16xf32> to vector<16xf32>
    %mul3A_119 = arith.mulf %scan3A_60#6, %get3A_118 : vector<16xf32>
    %sub3A_120 = arith.constant 1.000000e+00 : f32
    %sub3A_121 = vector.broadcast %sub3A_120 : f32 to vector<16xf32>
    %sub3A_122 = arith.subf %sub3A_121, %mul3A_119 : vector<16xf32>
    %mul3A_123 = arith.mulf %scan3A_60#7, %get3A_118 : vector<16xf32>
    %sub3A_124 = arith.constant 1.000000e+00 : f32
    %sub3A_125 = vector.broadcast %sub3A_124 : f32 to vector<16xf32>
    %sub3A_126 = arith.subf %sub3A_125, %mul3A_123 : vector<16xf32>
    %mul3A_127 = arith.mulf %scan3A_60#8, %get3A_118 : vector<16xf32>
    %sub3A_128 = arith.constant 1.000000e+00 : f32
    %sub3A_129 = vector.broadcast %sub3A_128 : f32 to vector<16xf32>
    %sub3A_130 = arith.subf %sub3A_129, %mul3A_127 : vector<16xf32>
    %mul3A_131 = arith.mulf %sub3A_126, %sub3A_130 : vector<16xf32>
    %mul3A_132 = arith.mulf %sub3A_122, %mul3A_131 : vector<16xf32>
    %sub3A_133 = arith.constant 1.000000e+00 : f32
    %sub3A_134 = vector.broadcast %sub3A_133 : f32 to vector<16xf32>
    %sub3A_135 = arith.subf %sub3A_134, %mul3A_132 : vector<16xf32>
    %swap3A_136 = arith.constant 32 : index
    %swap3A_137 = tpu.vector_load %arg13[%swap3A_136] {strides = array<i32>} : memref<128xf32, #tpu.memory_space<vmem>>, vector<16xf32>,
    %swap3A_138 = vector.shape_cast %swap3A_137 : vector<16xf32> to vector<16xf32>
    %swap3A_139 = vector.shape_cast %sub3A_135 : vector<16xf32> to vector<16xf32>
    tpu.vector_store %arg13[%swap3A_136], %swap3A_139 {strides = array<i32>} : memref<128xf32, #tpu.memory_space<vmem>>, vector<16xf32>,
    %get3A_140 = arith.constant 48 : index
    %get3A_141 = tpu.vector_load %arg12[%get3A_140] {strides = array<i32>} : memref<128xf32, #tpu.memory_space<vmem>>, vector<16xf32>,
    %get3A_142 = vector.shape_cast %get3A_141 : vector<16xf32> to vector<16xf32>
    %mul3A_143 = arith.mulf %scan3A_60#9, %get3A_142 : vector<16xf32>
    %sub3A_144 = arith.constant 1.000000e+00 : f32
    %sub3A_145 = vector.broadcast %sub3A_144 : f32 to vector<16xf32>
    %sub3A_146 = arith.subf %sub3A_145, %mul3A_143 : vector<16xf32>
    %mul3A_147 = arith.mulf %scan3A_60#10, %get3A_142 : vector<16xf32>
    %sub3A_148 = arith.constant 1.000000e+00 : f32
    %sub3A_149 = vector.broadcast %sub3A_148 : f32 to vector<16xf32>
    %sub3A_150 = arith.subf %sub3A_149, %mul3A_147 : vector<16xf32>
    %mul3A_151 = arith.mulf %scan3A_60#11, %get3A_142 : vector<16xf32>
    %sub3A_152 = arith.constant 1.000000e+00 : f32
    %sub3A_153 = vector.broadcast %sub3A_152 : f32 to vector<16xf32>
    %sub3A_154 = arith.subf %sub3A_153, %mul3A_151 : vector<16xf32>
    %mul3A_155 = arith.mulf %sub3A_150, %sub3A_154 : vector<16xf32>
    %mul3A_156 = arith.mulf %sub3A_146, %mul3A_155 : vector<16xf32>
    %sub3A_157 = arith.constant 1.000000e+00 : f32
    %sub3A_158 = vector.broadcast %sub3A_157 : f32 to vector<16xf32>
    %sub3A_159 = arith.subf %sub3A_158, %mul3A_156 : vector<16xf32>
    %swap3A_160 = arith.constant 48 : index
    %swap3A_161 = tpu.vector_load %arg13[%swap3A_160] {strides = array<i32>} : memref<128xf32, #tpu.memory_space<vmem>>, vector<16xf32>,
    %swap3A_162 = vector.shape_cast %swap3A_161 : vector<16xf32> to vector<16xf32>
    %swap3A_163 = vector.shape_cast %sub3A_159 : vector<16xf32> to vector<16xf32>
    tpu.vector_store %arg13[%swap3A_160], %swap3A_163 {strides = array<i32>} : memref<128xf32, #tpu.memory_space<vmem>>, vector<16xf32>,
    %get3A_164 = arith.constant 64 : index
    %get3A_165 = tpu.vector_load %arg12[%get3A_164] {strides = array<i32>} : memref<128xf32, #tpu.memory_space<vmem>>, vector<16xf32>,
    %get3A_166 = vector.shape_cast %get3A_165 : vector<16xf32> to vector<16xf32>
    %mul3A_167 = arith.mulf %scan3A_60#12, %get3A_166 : vector<16xf32>
    %sub3A_168 = arith.constant 1.000000e+00 : f32
    %sub3A_169 = vector.broadcast %sub3A_168 : f32 to vector<16xf32>
    %sub3A_170 = arith.subf %sub3A_169, %mul3A_167 : vector<16xf32>
    %mul3A_171 = arith.mulf %scan3A_60#13, %get3A_166 : vector<16xf32>
    %sub3A_172 = arith.constant 1.000000e+00 : f32
    %sub3A_173 = vector.broadcast %sub3A_172 : f32 to vector<16xf32>
    %sub3A_174 = arith.subf %sub3A_173, %mul3A_171 : vector<16xf32>
    %mul3A_175 = arith.mulf %scan3A_60#14, %get3A_166 : vector<16xf32>
    %sub3A_176 = arith.constant 1.000000e+00 : f32
    %sub3A_177 = vector.broadcast %sub3A_176 : f32 to vector<16xf32>
    %sub3A_178 = arith.subf %sub3A_177, %mul3A_175 : vector<16xf32>
    %mul3A_179 = arith.mulf %sub3A_174, %sub3A_178 : vector<16xf32>
    %mul3A_180 = arith.mulf %sub3A_170, %mul3A_179 : vector<16xf32>
    %sub3A_181 = arith.constant 1.000000e+00 : f32
    %sub3A_182 = vector.broadcast %sub3A_181 : f32 to vector<16xf32>
    %sub3A_183 = arith.subf %sub3A_182, %mul3A_180 : vector<16xf32>
    %swap3A_184 = arith.constant 64 : index
    %swap3A_185 = tpu.vector_load %arg13[%swap3A_184] {strides = array<i32>} : memref<128xf32, #tpu.memory_space<vmem>>, vector<16xf32>,
    %swap3A_186 = vector.shape_cast %swap3A_185 : vector<16xf32> to vector<16xf32>
    %swap3A_187 = vector.shape_cast %sub3A_183 : vector<16xf32> to vector<16xf32>
    tpu.vector_store %arg13[%swap3A_184], %swap3A_187 {strides = array<i32>} : memref<128xf32, #tpu.memory_space<vmem>>, vector<16xf32>,
    %get3A_188 = arith.constant 80 : index
    %get3A_189 = tpu.vector_load %arg12[%get3A_188] {strides = array<i32>} : memref<128xf32, #tpu.memory_space<vmem>>, vector<16xf32>,
    %get3A_190 = vector.shape_cast %get3A_189 : vector<16xf32> to vector<16xf32>
    %mul3A_191 = arith.mulf %scan3A_60#15, %get3A_190 : vector<16xf32>
    %sub3A_192 = arith.constant 1.000000e+00 : f32
    %sub3A_193 = vector.broadcast %sub3A_192 : f32 to vector<16xf32>
    %sub3A_194 = arith.subf %sub3A_193, %mul3A_191 : vector<16xf32>
    %mul3A_195 = arith.mulf %scan3A_60#16, %get3A_190 : vector<16xf32>
    %sub3A_196 = arith.constant 1.000000e+00 : f32
    %sub3A_197 = vector.broadcast %sub3A_196 : f32 to vector<16xf32>
    %sub3A_198 = arith.subf %sub3A_197, %mul3A_195 : vector<16xf32>
    %mul3A_199 = arith.mulf %scan3A_60#17, %get3A_190 : vector<16xf32>
    %sub3A_200 = arith.constant 1.000000e+00 : f32
    %sub3A_201 = vector.broadcast %sub3A_200 : f32 to vector<16xf32>
    %sub3A_202 = arith.subf %sub3A_201, %mul3A_199 : vector<16xf32>
    %mul3A_203 = arith.mulf %sub3A_198, %sub3A_202 : vector<16xf32>
    %mul3A_204 = arith.mulf %sub3A_194, %mul3A_203 : vector<16xf32>
    %sub3A_205 = arith.constant 1.000000e+00 : f32
    %sub3A_206 = vector.broadcast %sub3A_205 : f32 to vector<16xf32>
    %sub3A_207 = arith.subf %sub3A_206, %mul3A_204 : vector<16xf32>
    %swap3A_208 = arith.constant 80 : index
    %swap3A_209 = tpu.vector_load %arg13[%swap3A_208] {strides = array<i32>} : memref<128xf32, #tpu.memory_space<vmem>>, vector<16xf32>,
    %swap3A_210 = vector.shape_cast %swap3A_209 : vector<16xf32> to vector<16xf32>
    %swap3A_211 = vector.shape_cast %sub3A_207 : vector<16xf32> to vector<16xf32>
    tpu.vector_store %arg13[%swap3A_208], %swap3A_211 {strides = array<i32>} : memref<128xf32, #tpu.memory_space<vmem>>, vector<16xf32>,
    %get3A_212 = arith.constant 96 : index
    %get3A_213 = tpu.vector_load %arg12[%get3A_212] {strides = array<i32>} : memref<128xf32, #tpu.memory_space<vmem>>, vector<16xf32>,
    %get3A_214 = vector.shape_cast %get3A_213 : vector<16xf32> to vector<16xf32>
    %mul3A_215 = arith.mulf %scan3A_60#18, %get3A_214 : vector<16xf32>
    %sub3A_216 = arith.constant 1.000000e+00 : f32
    %sub3A_217 = vector.broadcast %sub3A_216 : f32 to vector<16xf32>
    %sub3A_218 = arith.subf %sub3A_217, %mul3A_215 : vector<16xf32>
    %mul3A_219 = arith.mulf %scan3A_60#19, %get3A_214 : vector<16xf32>
    %sub3A_220 = arith.constant 1.000000e+00 : f32
    %sub3A_221 = vector.broadcast %sub3A_220 : f32 to vector<16xf32>
    %sub3A_222 = arith.subf %sub3A_221, %mul3A_219 : vector<16xf32>
    %mul3A_223 = arith.mulf %scan3A_60#20, %get3A_214 : vector<16xf32>
    %sub3A_224 = arith.constant 1.000000e+00 : f32
    %sub3A_225 = vector.broadcast %sub3A_224 : f32 to vector<16xf32>
    %sub3A_226 = arith.subf %sub3A_225, %mul3A_223 : vector<16xf32>
    %mul3A_227 = arith.mulf %sub3A_222, %sub3A_226 : vector<16xf32>
    %mul3A_228 = arith.mulf %sub3A_218, %mul3A_227 : vector<16xf32>
    %sub3A_229 = arith.constant 1.000000e+00 : f32
    %sub3A_230 = vector.broadcast %sub3A_229 : f32 to vector<16xf32>
    %sub3A_231 = arith.subf %sub3A_230, %mul3A_228 : vector<16xf32>
    %swap3A_232 = arith.constant 96 : index
    %swap3A_233 = tpu.vector_load %arg13[%swap3A_232] {strides = array<i32>} : memref<128xf32, #tpu.memory_space<vmem>>, vector<16xf32>,
    %swap3A_234 = vector.shape_cast %swap3A_233 : vector<16xf32> to vector<16xf32>
    %swap3A_235 = vector.shape_cast %sub3A_231 : vector<16xf32> to vector<16xf32>
    tpu.vector_store %arg13[%swap3A_232], %swap3A_235 {strides = array<i32>} : memref<128xf32, #tpu.memory_space<vmem>>, vector<16xf32>,
    %get3A_236 = arith.constant 112 : index
    %get3A_237 = tpu.vector_load %arg12[%get3A_236] {strides = array<i32>} : memref<128xf32, #tpu.memory_space<vmem>>, vector<16xf32>,
    %get3A_238 = vector.shape_cast %get3A_237 : vector<16xf32> to vector<16xf32>
    %mul3A_239 = arith.mulf %scan3A_60#21, %get3A_238 : vector<16xf32>
    %sub3A_240 = arith.constant 1.000000e+00 : f32
    %sub3A_241 = vector.broadcast %sub3A_240 : f32 to vector<16xf32>
    %sub3A_242 = arith.subf %sub3A_241, %mul3A_239 : vector<16xf32>
    %mul3A_243 = arith.mulf %scan3A_60#22, %get3A_238 : vector<16xf32>
    %sub3A_244 = arith.constant 1.000000e+00 : f32
    %sub3A_245 = vector.broadcast %sub3A_244 : f32 to vector<16xf32>
    %sub3A_246 = arith.subf %sub3A_245, %mul3A_243 : vector<16xf32>
    %mul3A_247 = arith.mulf %scan3A_60#23, %get3A_238 : vector<16xf32>
    %sub3A_248 = arith.constant 1.000000e+00 : f32
    %sub3A_249 = vector.broadcast %sub3A_248 : f32 to vector<16xf32>
    %sub3A_250 = arith.subf %sub3A_249, %mul3A_247 : vector<16xf32>
    %mul3A_251 = arith.mulf %sub3A_246, %sub3A_250 : vector<16xf32>
    %mul3A_252 = arith.mulf %sub3A_242, %mul3A_251 : vector<16xf32>
    %sub3A_253 = arith.constant 1.000000e+00 : f32
    %sub3A_254 = vector.broadcast %sub3A_253 : f32 to vector<16xf32>
    %sub3A_255 = arith.subf %sub3A_254, %mul3A_252 : vector<16xf32>
    %swap3A_256 = arith.constant 112 : index
    %swap3A_257 = tpu.vector_load %arg13[%swap3A_256] {strides = array<i32>} : memref<128xf32, #tpu.memory_space<vmem>>, vector<16xf32>,
    %swap3A_258 = vector.shape_cast %swap3A_257 : vector<16xf32> to vector<16xf32>
    %swap3A_259 = vector.shape_cast %sub3A_255 : vector<16xf32> to vector<16xf32>
    tpu.vector_store %arg13[%swap3A_256], %swap3A_259 {strides = array<i32>} : memref<128xf32, #tpu.memory_space<vmem>>, vector<16xf32>,
    "tpu.region"() ({
      %run_scoped3A = tpu.sem_alloc : memref<!tpu.dma_semaphore, #tpu.memory_space<semaphore_mem>>
      %dma_start3A_260 = tpu.memref_slice %arg5[%mul3A_2] : memref<4096xf32, #tpu.memory_space<hbm>> -> memref<128xf32, #tpu.memory_space<hbm>>
      %dma_start3A_261 = tpu.memref_slice %arg5[%mul3A_2] : memref<4096xf32, #tpu.memory_space<hbm>> -> memref<128xf32, #tpu.memory_space<hbm>>
      tpu.enqueue_dma source(%arg13 : memref<128xf32, #tpu.memory_space<vmem>>) target(%dma_start3A_261 : memref<128xf32, #tpu.memory_space<hbm>>) target_semaphore(%run_scoped3A : memref<!tpu.dma_semaphore, #tpu.memory_space<semaphore_mem>>)
      %dma_wait3A_262 = tpu.memref_slice %arg5[%mul3A_2] : memref<4096xf32, #tpu.memory_space<hbm>> -> memref<128xf32, #tpu.memory_space<hbm>>
      %dma_wait3A_263 = tpu.memref_slice %arg5[%mul3A_2] : memref<4096xf32, #tpu.memory_space<hbm>> -> memref<128xf32, #tpu.memory_space<hbm>>
      tpu.wait_dma2 semaphore(%run_scoped3A : memref<!tpu.dma_semaphore, #tpu.memory_space<semaphore_mem>>) src(%arg13 : memref<128xf32, #tpu.memory_space<vmem>>) dst(%dma_wait3A_263 : memref<128xf32, #tpu.memory_space<hbm>>)
      tpu.yield
    }) : () -> ()
    return
  }
}

</mosaic_0001>

<sc_bundles>
// kernel: kernel.3.cloned.1.call-start
scs
__scs_entry_jumppad:
0x0: {  	(pc) =	sbr.rel $0x88, $3  }
0x1: {  	(tag) =	ssettag $0x0;
	lr =	simm.s32 $0x1  }
0x2: {  	[smem:$0x3F9E] =	sst lr;
	_ =	strace $0xD0000000  }
0x3: {  	_ = 	snop  }
0x4: {  	_ = 	snop  }
0x5: {  	_ = 	snop  }
0x6: {  	_ = 	snop  }
0x7: {  	_ = 	snop  }
__scs_overlays_trampoline_lowered:
0x8: {  	[smem:$0x3FAD] =	sst s0  }
0x9: {  	[smem:$0x3FAE] =	sst s1  }
0xa: {  	[smem:$0x3FAF] =	sst s2  }
0xb: {  	[smem:$0x3FB0] =	sst s3  }
0xc: {  	[smem:$0x3FB1] =	sst s4  }
0xd: {  	[smem:$0x3FB2] =	sst s5  }
0xe: {  	[smem:$0x3FB3] =	sst s6  }
0xf: {  	[smem:$0x3FB4] =	sst s7  }
0x10: {  	[smem:$0x3FB5] =	sst s8  }
0x11: {  	[smem:$0x3FB6] =	sst s9;
	s0 =	simm.s32 @!p0 $0x0  }
0x12: {  	s1 =	sld [smem:$0x3F9C];
	s0 =	simm.s32 @p0 $0x1  }
0x13: {  	[smem:$0x3FB7] =	sst s0;
	s0 =	simm.s32 @!p1 $0x0  }
0x14: {  	s2 =	sld [smem:$0x3F9B];
	s0 =	simm.s32 @p1 $0x1  }
0x15: {  	[smem:$0x3FB8] =	sst s0;
	s0 =	simm.s32 @!p2 $0x0  }
0x16: {  	s3 =	sld [smem:$0x3FDB];
	s0 =	simm.s32 @p2 $0x1  }
0x17: {  	s4 =	simm.s32 $0x1BF5;
	[smem:$0x3FBA] =	sst s0  }
0x18: {  	s0 =	sld [smem:$0x3F9D];
	_ =	swait.ge [sflag:s4], $0x0  }
0x19: {  	s7 =	sld [smem:$0x3F9E]  }
0x1a: {  	s8 =	sadd.s32 $0xFFFFE003, lr  }
0x1b: {  	s9 =	sadd.s32 $0xFFFFFEF7, lr;
	s5 =	simm.s32 $0xFFFFFFFF;
	p2 =	slt.u32 s8, $0xFFFFF086  }
0x1c: {  	p1 =	slt.u32 s9, $0xF7A;
	s5 =	simm.s32 @!p2 $0x0  }
0x1d: {  	s5 =	simm.s32 @p1 $0x1;
	p0 =	seq.s32 s7, s2  }
0x1e: {  	s7 =	smul.u32 @!p0 $0xF7A, s2;
	p2 =	seq.s32 @!p0 s5, $0x0  }
0x1f: {  	s9 =	smul.u32 $0xF7A, s1;
	s8 =	simm.s32 @!p0 $0x1BF5;
	p2 =	por !p2, p0  }
0x20: {  	[sflag:s8] =	ssyncset.s32 @!p0 $0xFFFFF086;
	s6 =	sadd.s32 @!p0 s3, s7;
	s7 =	simm.s32 @!p0 $0x108  }
0x21: {  	s3 =	sadd.s32 s3, s9;
	s6 =	sadd.s32 @!p0 $0x88, s6;
	s7 =	simm.s32 @p2 $0x1082  }
0x22: {  	[simem:s7], [sflag:s8] =	dma.local @!p0 [hbm:s6], $0xF7A  }
0x23: {  	s9 =	sor.u32 $0xD0000000, s2;
	s6 =	simm.s32 $0x108;
	_ =	swait.ge @!p0 [sflag:s8], $0x0  }
0x24: {  	s3 =	sadd.s32 $0x88, s3;
	s6 =	simm.s32 @!p1 $0x1082;
	[sflag:s4] =	ssyncset.s32 $0xFFFFF086  }
0x25: {  	[simem:s6], [sflag:s4] =	dma.local [hbm:s3], $0xF7A  }
0x26: {  	[smem:$0x3F9E] =	sst s1;
	(tag) =	ssettag s2;
	_ =	strace s9  }
0x27: {  	s1 =	sld [smem:$0x3FAE]  }
0x28: {  	s2 =	sld [smem:$0x3FAF]  }
0x29: {  	s4 =	sld [smem:$0x3FB1]  }
0x2a: {  	p0 =	seq.s32 s5, $0x0;
	s5 =	sld [smem:$0x3FB2]  }
0x2b: {  	s6 =	sld [smem:$0x3FB3]  }
0x2c: {  	s7 =	sld [smem:$0x3FB4]  }
0x2d: {  	s3 =	simm.s32 $0x108;
	s8 =	sld [smem:$0x3FB5]  }
0x2e: {  	s3 =	simm.s32 @!p0 $0x1082;
	s9 =	sld [smem:$0x3FB6]  }
0x2f: {  	lr =	sadd.s32 s0, s3;
	s0 =	sld [smem:$0x3FAD]  }
0x30: {  	s3 =	sld [smem:$0x3FB0]  }
0x31: {  	[smem:$0x3FB9] =	sst s10  }
0x32: {  	s10 =	sld [smem:$0x3FB7];
	_ =	sdelay $0x3  }
0x33: {  	p0 =	seq.s32 s10, $0x1;
	s10 =	sld [smem:$0x3FB9];
	_ =	sdelay $0x3  }
0x34: {  	[smem:$0x3FB9] =	sst s10  }
0x35: {  	s10 =	sld [smem:$0x3FB8];
	_ =	sdelay $0x3  }
0x36: {  	p1 =	seq.s32 s10, $0x1;
	s10 =	sld [smem:$0x3FB9];
	_ =	sdelay $0x3  }
0x37: {  	[smem:$0x3FB9] =	sst s10  }
0x38: {  	s10 =	sld [smem:$0x3FBA]  }
0x39: {  	_ = 	snop;
	(pc) =	sbr.ind lr, $3  }
0x3a: {  	_ = 	snop  }
0x3b: {  	_ = 	snop  }
0x3c: {  	p2 =	seq.s32 s10, $0x1;
	s10 =	sld [smem:$0x3FB9]  }
0x3d: {  	_ =	shalt  }
0x3e: {  	_ =	shalt  }
0x3f: {  	_ =	shalt  }
0x40: {  	_ =	shalt  }
0x41: {  	_ =	shalt  }
0x42: {  	_ =	shalt  }
0x43: {  	_ =	shalt  }
0x44: {  	_ =	shalt  }
0x45: {  	_ =	shalt  }
0x46: {  	_ =	shalt  }
0x47: {  	_ =	shalt  }
0x48: {  	_ =	shalt  }
0x49: {  	_ =	shalt  }
0x4a: {  	_ =	shalt  }
0x4b: {  	_ =	shalt  }
0x4c: {  	_ =	shalt  }
0x4d: {  	_ =	shalt  }
0x4e: {  	_ =	shalt  }
0x4f: {  	_ =	shalt  }
0x50: {  	_ =	shalt  }
0x51: {  	_ =	shalt  }
0x52: {  	_ =	shalt  }
0x53: {  	_ =	shalt  }
0x54: {  	_ =	shalt  }
0x55: {  	_ =	shalt  }
0x56: {  	_ =	shalt  }
0x57: {  	_ =	shalt  }
0x58: {  	_ =	shalt  }
0x59: {  	_ =	shalt  }
0x5a: {  	_ =	shalt  }
0x5b: {  	_ =	shalt  }
0x5c: {  	_ =	shalt  }
0x5d: {  	_ =	shalt  }
0x5e: {  	_ =	shalt  }
0x5f: {  	_ =	shalt  }
0x60: {  	_ =	shalt  }
0x61: {  	_ =	shalt  }
0x62: {  	_ =	shalt  }
0x63: {  	_ =	shalt  }
0x64: {  	_ =	shalt  }
0x65: {  	_ =	shalt  }
0x66: {  	_ =	shalt  }
0x67: {  	_ =	shalt  }
0x68: {  	_ =	shalt  }
0x69: {  	_ =	shalt  }
0x6a: {  	_ =	shalt  }
0x6b: {  	_ =	shalt  }
0x6c: {  	_ =	shalt  }
0x6d: {  	_ =	shalt  }
0x6e: {  	_ =	shalt  }
0x6f: {  	_ =	shalt  }
0x70: {  	_ =	shalt  }
0x71: {  	_ =	shalt  }
0x72: {  	_ =	shalt  }
0x73: {  	_ =	shalt  }
0x74: {  	_ =	shalt  }
0x75: {  	_ =	shalt  }
0x76: {  	_ =	shalt  }
0x77: {  	_ =	shalt  }
0x78: {  	_ =	shalt  }
0x79: {  	_ =	shalt  }
0x7a: {  	_ =	shalt  }
0x7b: {  	_ =	shalt  }
0x7c: {  	_ =	shalt  }
0x7d: {  	_ =	shalt  }
0x7e: {  	_ =	shalt  }
0x7f: {  	_ =	shalt  }
0x80: {  	_ =	shalt  }
0x81: {  	_ =	shalt  }
0x82: {  	_ =	shalt  }
0x83: {  	_ =	shalt  }
0x84: {  	_ =	shalt  }
0x85: {  	_ =	shalt  }
0x86: {  	_ =	shalt  }
0x87: {  	_ =	shalt  }
.Lfunc_end0:
.L_simem_size_0:
called_computation_lowered:
.L_overlay_start_0:
0x88: {  	s2 =	sld [smem:$0x3FD9]  }
0x89: {  	s3 =	sld [smem:$0x3FFE];
	_ =	sdelay $0x1  }
0x8a: {  	s1 =	srdreg.scid  }
0x8b: {  	s0 =	sand.u32 $0x1, s1  }
0x8c: {  	s14 =	sshll.u32 s0, $0xA;
	s2 =	sadd.s32 s3, s2  }
0x8d: {  	s2 =	sadd.s32 s2, s14  }
0x8e: {  	[smem:$0x3FC5] =	sst s2  }
0x8f: {  	_ = 	snop  }
0x90: {  	s2 =	sld [smem:$0x3FD0];
	_ =	sdelay $0x1  }
0x91: {  	s15 =	sld [smem:$0x3FC9]  }
0x92: {  	s5 =	simm.s32 $0xA;
	s6 =	simm.s32 $0x10;
	s4 =	sld [smem:$0x3FC7]  }
0x93: {  	[smem:s6], [sflag:s5] =	dma.local [hbm:s2], $0x1  }
0x94: {  	_ =	swait.eq [sflag:s5], $0x1  }
0x95: {  	[sflag:s5] =	ssyncset.done $0x0  }
0x96: {  	s16 =	sld [smem:$0x10];
	[sflag:s5] =	ssyncadd.s32 $0xFFFFFFFF  }
0x97: {  	s17 =	sld [smem:$0x11];
	(tm) =	ssettm $0x1  }
0x98: {  	s18 =	sld [smem:$0x3FFB];
	_ =	sdelay $0x3  }
0x99: {  	_ =	strace s18  }
0x9a: {  	s6 =	sld [smem:$0x3FFC];
	_ =	sdelay $0x3  }
0x9b: {  	_ =	strace s6  }
0x9c: {  	s6 =	sld [smem:$0x3FFD];
	_ =	sdelay $0x3  }
0x9d: {  	_ =	strace s6  }
0x9e: {  	_ =	strace $0x8FFFFFFF  }
0x9f: {  	s19 =	sld [smem:$0x3FDB];
	_ =	sdelay $0x1  }
0xa0: {  	s7 =	simm.s32 $_scs_section_size  }
0xa1: {  	s8 =	simm.s32 $_size__tile_overlayer_lowered;
	s9 =	simm.s32 $_tile_overlayer_lowered  }
0xa2: {  	s22 =	simm.s32 $0x1BFF;
	s21 =	sshll.u32 s9, $0x1;
	s6 =	sadd.s32 s7, s19  }
0xa3: {  	s10 =	simm.s32 $0x0;
	s20 =	sshll.u32 s8, $0x1;
	s8 =	sadd.s32 s21, s6  }
0xa4: {  	[timem:s10], [sflag:s22] =	dma.local [hbm:s8], s20  }
0xa5: {  	_ =	swait.ge [sflag:s22], s20  }
0xa6: {  	s7 =	ssub.s32 $0x0, s20;
	[sflag:s22] =	ssyncset.done $0x0  }
0xa7: {  	[sflag:s22] =	ssyncadd.s32 s7;
	_ =	sdelay $0x1  }
0xa8: {  	s23 =	simm.s32 $0x1B8B  }
0xa9: {  	_ =	swait.ge [sflag:s23], $0x1  }
0xaa: {  	[sflag:s23] =	ssyncset.done $0x0  }
0xab: {  	s25 =	simm.s32 $0x1B8E;
	s24 =	sld [smem:$0x3FFE];
	[sflag:s23] =	ssyncadd.s32 $0xFFFFFFFF  }
0xac: {  	s26 =	simm.s32 $execute0_lowered;
	[smem:$0x3FD2] =	sst s25  }
0xad: {  	s8 =	sshll.u32 s26, $0x1;
	_ =	strace $0x80000046;
	[dreg:$0x1] =	wrdreg $0xFFFFFFFF  }
0xae: {  	s28 =	simm.s32 $_size_execute0_lowered;
	s6 =	sadd.s32 s6, s8;
	[dreg:$0x0] =	wrdreg $0x0  }
0xaf: {  	s8 =	sshll.u32 s28, $0x1;
	[dreg:$0x2] =	wrdreg s6  }
0xb0: {  	[dreg:$0x3] =	wrdreg s8  }
0xb1: {  	[dreg:$0x4] =	wrdreg $0xC0  }
0xb2: {  	_ =	task [dreg:s10], $0x5FFFF  }
0xb3: {  	[dreg:$0x1] =	wrdreg $0xFFFFFFFF  }
0xb4: {  	[dreg:$0x0] =	wrdreg $0x60  }
0xb5: {  	[dreg:$0x2] =	wrdreg s4  }
0xb6: {  	[dreg:$0x3] =	wrdreg s24  }
0xb7: {  	[dreg:$0x4] =	wrdreg s15  }
0xb8: {  	[dreg:$0x5] =	wrdreg s16  }
0xb9: {  	[dreg:$0x6] =	wrdreg s17  }
0xba: {  	[dreg:$0x7] =	wrdreg $0x9  }
0xbb: {  	_ =	task.clear_ibuf [dreg:s10], $0x8FFFF;
	_ =	strace $0x90000046  }
0xbc: {  	s29 =	simm.s32 $0x9;
	_ =	strace $0x80000048  }
0xbd: {  	_ =	swait.ge [sflag:s29], $0x1  }
0xbe: {  	[sflag:s29] =	ssyncadd.s32 $0xFFFFFFFF  }
0xbf: {  	_ =	strace $0x90000048  }
0xc0: {  	_ =	sfence  }
0xc1: {  	s30 =	sld [smem:$0x0];
	_ =	sdelay $0x2  }
0xc2: {  	s31 =	sshll.u32 s1, $0xD;
	s1 =	sshrl.u32 s1, $0x2  }
0xc3: {  	s3 =	sand.u32 $0x4000, s31;
	s1 =	sadd.s32 s1, s30  }
0xc4: {  	s0 =	sor.u32 s3, s0;
	s1 =	sshll.u32 s1, $0x11  }
0xc5: {  	s0 =	sor.u32 s1, s0  }
0xc6: {  	s0 =	sadd.s32 $0x8F2B, s0  }
0xc7: {  	[sflag:s0] =	ssyncadd.remote.s32 $0x1  }
0xc8: {  	_ =	sfence.sel $0xFFFF  }
0xc9: {  	[dreg:$0x0] =	wrdreg $0xFFFFFFFF;
	(pc) =	sbr.abs _section_cstart, $3  }
0xca: {  	[dreg:$0x1] =	wrdreg $0xFFFFFFFF  }
0xcb: {  	_ =	task.clear_ibuf [dreg:s10], $0x2FFFF;
	_ =	strace $0x9FFFFFFF  }
0xcc: {  	(tm) =	ssettm $0x7FFFFFFF  }
0xcd: {  	_ =	shalt  }
tec
execute0_lowered:
.L_overlay_start_1:
0x0: {  	(tag) =	ssettag $0x1  }
0x1: {  	s1 =	rddreg [dreg:$0x0]  }
0x2: {  	s0 =	rddreg [dreg:$0x1]  }
0x3: {  	s2 =	rddreg [dreg:$0x2]  }
0x4: {  	s6 =	rddreg [dreg:$0x3]  }
0x5: {  	s3 =	rddreg [dreg:$0x4];
	s4 =	srdreg.scid  }
0x6: {  	s7 =	stileid.u32;
	s15 =	simm.s32 $0xA;
	s16 =	simm.s32 $0x80  }
0x7: {  	s17 =	simm.s32 $0x1000;
	s18 =	simm.s32 $0x2000;
	s20 =	simm.s32 $0x1  }
0x8: {  	s21 =	simm.s32 $0x4000;
	s22 =	simm.s32 $0x2;
	s23 =	simm.s32 $0x6000  }
0x9: {  	s24 =	simm.s32 $0x3;
	s28 =	simm.s32 $0x6;
	s5 =	sand.u32 $0x1, s4  }
0xa: {  	s4 =	simm.s32 $0x0;
	s7 =	sshll.u32 s7, $0x8;
	s8 =	sshll.u32 s5, $0x7  }
0xb: {  	[smem:$0x7FF] =	sst s4;
	s9 =	ssub.s32 $0x2, s5;
	s5 =	sor.u32 s8, s7  }
0xc: {  	s0 =	sadd.s32 $0x800, s0;
	_ =	strace $0x80000047;
	s8 =	sshrl.u32 s5, $0x3  }
0xd: {  	s25 =	sshrl.u32 s9, $0x1;
	[dreg:$0x6] =	wrdreg s0;
	s2 =	sadd.s32 s2, s8  }
0xe: {  	s26 =	ssub.s32 s9, s25;
	s29 =	sadd.s32 s1, s8;
	[dreg:$0x8] =	wrdreg s2  }
0xf: {  	s10 =	sor.u32 $0x100000, s5;
	s31 =	sadd.s32 s6, s8;
	[dreg:$0x7] =	wrdreg s29  }
0x10: {  	s11 =	sor.u32 $0x140000, s5;
	s0 =	smax.u32 s26, $0x1;
	[dreg:$0xa] =	wrdreg s31  }
0x11: {  	s25 =	simm.s32 $0x5;
	s30 =	sadd.s32 $0x8000, s29;
	[dreg:$0xb] =	wrdreg s0  }
0x12: {  	s26 =	simm.s32 $0x4;
	s0 =	simm.s32 $0x0;
	[dreg:$0x9] =	wrdreg s30  }
.LBB2_1:
0x13: {  	s2 =	simm.s32 $0x8000;
	s6 =	rddreg [dreg:$0x6]  }
0x14: {  	[tilespmem:s2], [sflag:$0x9] =	stream.linear.gather [hbm4b:s6+s4], $0x10000, $0x38;
	[tilespmem:$0x18100] =	vst v63  }
0x15: {  	s14 =	rddreg [dreg:$0x8];
	s7 =	simm.s32 $0x18000  }
0x16: {  	[tilespmem:s7], [sflag:$0xA] =	stream.linear.gather [hbm4b:s14+s4], $0x80, $0x38;
	[tilespmem:$0x18100] =	vst v63  }
0x17: {  	_ =	swait.ge [sflag:s15], $0x80  }
0x18: {  	[sflag:s15] =	ssyncset.done $0x0  }
0x19: {  	s19 =	rddreg [dreg:$0x7];
	[sflag:s15] =	ssyncadd.s32 $0xFFFFFF80  }
0x1a: {  	[tilespmem:s4], [sflag:$0x1] =	stream.strided.gather [hbm4b:s19+s16], $0x2000, s17, s16, $0x38;
	[tilespmem:$0x18100] =	vst v63  }
0x1b: {  	s29 =	rddreg [dreg:$0x9]  }
0x1c: {  	[tilespmem:s18], [sflag:$0x2] =	stream.strided.gather [hbm4b:s29+s16], $0x2000, s17, s16, $0x38;
	[tilespmem:$0x18100] =	vst v63  }
0x1d: {  	v0 =	vld [tilespmem:$0x18000]  }
0x1e: {  	v1 =	vld [tilespmem:$0x18010]  }
0x1f: {  	v2 =	vld [tilespmem:$0x18020]  }
0x20: {  	v3 =	vld [tilespmem:$0x18030]  }
0x21: {  	v4 =	vld [tilespmem:$0x18040]  }
0x22: {  	v5 =	vld [tilespmem:$0x18050];
	v0 =	vsub.f32 $1.000000000e+00, v0  }
0x23: {  	v6 =	vld [tilespmem:$0x18060];
	v57 =	vsub.f32 $1.000000000e+00, v1  }
0x24: {  	v7 =	vld [tilespmem:$0x18070];
	v58 =	vsub.f32 $1.000000000e+00, v2;
	[tilespmem:$0x1FF80] =	vst v0  }
0x25: {  	v8 =	vimm.f32 $0.0e+00;
	v59 =	vsub.f32 $1.000000000e+00, v3;
	[tilespmem:$0x1FF90] =	vst v57  }
0x26: {  	v10 =	vimm.f32 $0.0e+00;
	v34 =	vimm.f32 $0.0e+00;
	v60 =	vsub.f32 $1.000000000e+00, v4;
	[tilespmem:$0x1FFA0] =	vst v58  }
0x27: {  	v11 =	vimm.f32 $0.0e+00;
	v9 =	vimm.f32 $0.0e+00;
	v61 =	vsub.f32 $1.000000000e+00, v5;
	[tilespmem:$0x1FFB0] =	vst v59  }
0x28: {  	v26 =	vimm.f32 $0.0e+00;
	v13 =	vimm.f32 $0.0e+00;
	v62 =	vsub.f32 $1.000000000e+00, v6;
	[tilespmem:$0x1FFC0] =	vst v60  }
0x29: {  	v12 =	vimm.f32 $0.0e+00;
	v27 =	vimm.f32 $0.0e+00;
	v63 =	vsub.f32 $1.000000000e+00, v7;
	[tilespmem:$0x1FFD0] =	vst v61  }
0x2a: {  	v15 =	vimm.f32 $0.0e+00;
	v14 =	vimm.f32 $0.0e+00;
	v35 =	vimm.f32 $0.0e+00;
	[tilespmem:$0x1FFE0] =	vst v62  }
0x2b: {  	s30 =	simm.s32 $0x9;
	v16 =	vimm.f32 $0.0e+00;
	v20 =	vimm.f32 $0.0e+00;
	v39 =	vimm.f32 $0.0e+00;
	[tilespmem:$0x1FFF0] =	vst v63  }
0x2c: {  	v17 =	vimm.f32 $0.0e+00;
	v21 =	vimm.f32 $0.0e+00;
	v40 =	vimm.f32 $0.0e+00;
	_ =	swait.ge [sflag:s30], $0x10000  }
0x2d: {  	v18 =	vimm.f32 $0.0e+00;
	v30 =	vimm.f32 $0.0e+00;
	v41 =	vimm.f32 $0.0e+00;
	s31 =	simm.s32 $0x8800;
	s8 =	simm.s32 $0x0;
	[sflag:s30] =	ssyncset.done $0x0  }
0x2e: {  	v19 =	vimm.f32 $0.0e+00;
	v33 =	vimm.f32 $0.0e+00;
	v22 =	vimm.f32 $0.0e+00;
	s6 =	simm.s32 $0x8C00;
	s14 =	simm.s32 $0x8400;
	[sflag:s30] =	ssyncadd.s32 $0xFFFF0000  }
.LBB2_2:
0x2f: {  	_ =	swait.ge [sflag:s20], $0x2000  }
0x30: {  	p0 =	seq.s32 s8, $0x0;
	[sflag:s20] =	ssyncset.done $0x0  }
0x31: {  	s7 =	simm.s32 @!p0 $0x7;
	[sflag:s20] =	ssyncadd.s32 $0xFFFFE000  }
0x32: {  	_ =	swait.ge @!p0 [sflag:s7], $0x2000  }
0x33: {  	v0 =	vld [tilespmem:$0x1FFB0]  }
0x34: {  	v54 =	vld [tilespmem:$0x1FFF0]  }
0x35: {  	s12 =	sshll.u32 s8, $0x14;
	v55 =	vld [tilespmem:$0x1FFA0]  }
0x36: {  	s9 =	sor.u32 s5, s12;
	v56 =	vld [tilespmem:$0x1FFE0]  }
0x37: {  	s13 =	sor.u32 $0x80000, s9;
	v57 =	vld [tilespmem:$0x1FF80]  }
0x38: {  	v37 =	vmov s2;
	s13 =	sshrl.u32 s13, $0x3;
	[sflag:s7] =	ssyncset.done @!p0 $0x0;
	v58 =	vld [tilespmem:$0x1FF90]  }
0x39: {  	s19 =	sadd.s32 s1, s13;
	v61 =	vld [tilespmem:$0x1FFC0];
	[sflag:s7] =	ssyncadd.s32 @!p0 $0xFFFFE000;
	s7 =	simm.s32 $0x40  }
0x3a: {  	v63 =	vld [tilespmem:$0x1FFD0];
	[tilespmem:s21], [sflag:$0x3] =	stream.strided.gather [hbm4b:s19+s16], $0x2000, s17, s16, $0x38  }
0x3b: {  	v23 =	vld [tilespmem:s7+$0xFFFFFFF0]  }
0x3c: {  	s19 =	simm.s32 $0x0;
	v24 =	vld [tilespmem:s7+$0x30]  }
0x3d: {  	v25 =	vld.idx.msk [tilespmem:v37+s19+$0x0 ss:$0x1], $0xffff  }
0x3e: {  	v28 =	vld [tilespmem:s7+$0x20]  }
0x3f: {  	v29 =	vld [tilespmem:s7+$0xFFFFFFE0]  }
0x40: {  	v31 =	vld [tilespmem:s7+$0xFFFFFFC0]  }
0x41: {  	v32 =	vld [tilespmem:s7+$0xFFFFFFD0]  }
0x42: {  	v48 =	vld [tilespmem:s7+$0x0]  }
0x43: {  	v51 =	vld [tilespmem:s7+$0x10];
	_ =	sdelay $0x1  }
0x44: {  	v36 =	vmul.f32 v23, v0;
	v38 =	vmul.f32 v24, v54  }
0x45: {  	v42 =	vmul.f32 v29, v55;
	v43 =	vmul.f32 v28, v56  }
0x46: {  	v25 =	vsub.f32 $1.000000000e+00, v25;
	v44 =	vmul.f32 v31, v57;
	v46 =	vmul.f32 v32, v58  }
0x47: {  	v62 =	vmul.f32 v48, v61;
	v0 =	vmul.f32 v51, v63  }
0x48: {  	v45 =	vmul.f32 v25, v31;
	v47 =	vmul.f32 v32, v25  }
0x49: {  	v50 =	vmul.f32 v29, v25;
	v53 =	vmul.f32 v23, v25  }
0x4a: {  	v54 =	vmul.f32 v48, v25;
	v55 =	vmul.f32 v51, v25  }
0x4b: {  	v57 =	vmul.f32 v28, v25;
	v49 =	vadd.f32 v45, v44;
	v52 =	vadd.f32 v47, v46  }
0x4c: {  	v25 =	vmul.f32 v24, v25;
	v59 =	vadd.f32 v50, v42;
	v60 =	vadd.f32 v53, v36  }
0x4d: {  	v44 =	vmul.f32 v45, v44;
	v56 =	vadd.f32 v54, v62;
	v58 =	vadd.f32 v55, v0  }
0x4e: {  	v46 =	vmul.f32 v47, v46;
	v1 =	vadd.f32 v57, v43;
	v2 =	vadd.f32 v25, v38  }
0x4f: {  	v42 =	vmul.f32 v50, v42;
	v45 =	vsub.f32 v31, v45;
	v3 =	vsub.f32 v32, v47  }
0x50: {  	v36 =	vmul.f32 v53, v36;
	v4 =	vsub.f32 v29, v50;
	v5 =	vsub.f32 v23, v53  }
0x51: {  	v43 =	vmul.f32 v57, v43;
	v61 =	vsub.f32 v51, v55;
	v63 =	vsub.f32 v24, v25  }
0x52: {  	v38 =	vmul.f32 v25, v38;
	v44 =	vsub.f32 v49, v44;
	v46 =	vsub.f32 v52, v46  }
0x53: {  	v42 =	vsub.f32 v59, v42;
	v36 =	vsub.f32 v60, v36;
	v49 =	vmul.f32 v54, v62  }
0x54: {  	v52 =	vmul.f32 v55, v0;
	v43 =	vsub.f32 v1, v43;
	v38 =	vsub.f32 v2, v38;
	[tilespmem:s7+$0xFFFFFFC0] =	vst v44  }
0x55: {  	v32 =	vmax.f32 v22, v45;
	v31 =	vmax.f32 v41, v3;
	v60 =	vsub.f32 v48, v54;
	[tilespmem:s7+$0xFFFFFFD0] =	vst v46  }
0x56: {  	v29 =	vmax.f32 v40, v4;
	v62 =	vsub.f32 v28, v57;
	v28 =	vmax.f32 v39, v5;
	[tilespmem:s7+$0xFFFFFFE0] =	vst v42  }
0x57: {  	v24 =	vmax.f32 v27, v61;
	v54 =	vmin.f32 v22, v45;
	v22 =	vmax.f32 v34, v63;
	[tilespmem:s7+$0xFFFFFFF0] =	vst v36  }
0x58: {  	v55 =	vmin.f32 v41, v3;
	v53 =	vmin.f32 v40, v4;
	v49 =	vsub.f32 v56, v49;
	[tilespmem:s7+$0x20] =	vst v43  }
0x59: {  	v50 =	vmin.f32 v27, v61;
	v27 =	vmax.f32 v30, v55;
	v52 =	vsub.f32 v58, v52;
	[tilespmem:s7+$0x30] =	vst v38  }
0x5a: {  	v23 =	vmax.f32 v35, v60;
	v25 =	vmax.f32 v26, v62;
	v51 =	vmin.f32 v35, v60;
	[tilespmem:s7+$0x0] =	vst v49  }
0x5b: {  	s19 =	simm.s32 $0xC0;
	v41 =	vmovc v8;
	v48 =	vmin.f32 v26, v62;
	v26 =	vmax.f32 v33, v54;
	v45 =	vmov v12;
	[tilespmem:s7+$0x10] =	vst v52  }
0x5c: {  	v35 =	vmovc v32;
	v49 =	vmin.f32 v39, v5;
	v52 =	vmin.f32 v34, v63;
	v46 =	vmovc v21;
	v43 =	vmov v20;
	v40 =	vld [tilespmem:s19+$0xFFFFFFF0]  }
0x5d: {  	s30 =	simm.s32 $0x10;
	s29 =	simm.s32 $0x80;
	s7 =	sshll.u32 s8, $0x8;
	v44 =	vmovc v14;
	v42 =	vmovc v9;
	v34 =	vmov v31;
	v36 =	vmov v29;
	v38 =	vmov v28;
	v39 =	vld [tilespmem:s19+$0x30]  }
.LBB2_3:
0x5e: {  	v56 =	vld.idx.msk [tilespmem:v37+s30+$0x0 ss:$0x1], $0xffff  }
0x5f: {  	v57 =	vld [tilespmem:s19+$0x20]  }
0x60: {  	v58 =	vld [tilespmem:s19+$0xFFFFFFE0]  }
0x61: {  	v33 =	vmin.f32 v33, v54;
	v54 =	vld [tilespmem:s19+$0xFFFFFFC0]  }
0x62: {  	v30 =	vmin.f32 v30, v55;
	v55 =	vld [tilespmem:s19+$0xFFFFFFD0]  }
0x63: {  	v0 =	vld [tilespmem:$0x1FFB0]  }
0x64: {  	v62 =	vld [tilespmem:$0x1FFF0]  }
0x65: {  	v21 =	vmax.f32 v21, v53;
	v63 =	vld [tilespmem:$0x1FFA0]  }
0x66: {  	v20 =	vmax.f32 v20, v49;
	v14 =	vmax.f32 v14, v51;
	v12 =	vmax.f32 v12, v50;
	v4 =	vld [tilespmem:$0x1FFE0]  }
0x67: {  	v9 =	vmax.f32 v9, v48;
	v8 =	vmax.f32 v8, v52;
	v50 =	vmin.f32 v45, v50;
	v5 =	vld [tilespmem:$0x1FF80]  }
0x68: {  	v59 =	vmin.f32 v46, v53;
	v60 =	vmin.f32 v43, v49;
	v13 =	vmax.f32 v13, v50;
	v50 =	vld [tilespmem:$0x1FF90]  }
0x69: {  	v61 =	vmin.f32 v44, v51;
	v19 =	vmax.f32 v19, v33;
	v33 =	vmin.f32 v42, v48  }
0x6a: {  	v48 =	vmin.f32 v41, v52;
	v49 =	vsub.f32 $1.000000000e+00, v56;
	v52 =	vmul.f32 v40, v0  }
0x6b: {  	v18 =	vmax.f32 v18, v30;
	v53 =	vmul.f32 v39, v62;
	v56 =	vmul.f32 v58, v63  }
0x6c: {  	v17 =	vmax.f32 v17, v59;
	v7 =	vmul.f32 v54, v5;
	v51 =	vmul.f32 v49, v54  }
0x6d: {  	v47 =	vmovc v23;
	v16 =	vmax.f32 v16, v60;
	v59 =	vmul.f32 v57, v4;
	v50 =	vmul.f32 v55, v50  }
0x6e: {  	v46 =	vmovc v21;
	v3 =	vmul.f32 v58, v49;
	v1 =	vadd.f32 v51, v7;
	v2 =	vmul.f32 v51, v7  }
0x6f: {  	v43 =	vmovc v20;
	v15 =	vmax.f32 v15, v61;
	v63 =	vld [tilespmem:s19+$0x0];
	v62 =	vmul.f32 v55, v49;
	v6 =	vmul.f32 v40, v49  }
0x70: {  	v44 =	vmovc v14;
	v4 =	vld [tilespmem:s19+$0x10];
	v1 =	vsub.f32 v1, v2;
	v2 =	vadd.f32 v3, v56;
	v56 =	vmul.f32 v3, v56  }
0x71: {  	v45 =	vmovc v12;
	v5 =	vadd.f32 v62, v50;
	v50 =	vmul.f32 v62, v50;
	v7 =	vld [tilespmem:$0x1FFD0];
	v51 =	vsub.f32 v54, v51  }
0x72: {  	v10 =	vmax.f32 v10, v48;
	v48 =	vsub.f32 v55, v62;
	[tilespmem:s19+$0xFFFFFFC0] =	vst v1;
	v1 =	vsub.f32 v2, v56;
	v56 =	vld [tilespmem:$0x1FFC0]  }
0x73: {  	v42 =	vmovc v9;
	v11 =	vmax.f32 v11, v33;
	v5 =	vsub.f32 v5, v50;
	v50 =	vadd.f32 v6, v52  }
0x74: {  	v41 =	vmovc v8;
	v52 =	vmul.f32 v6, v52;
	v32 =	vmax.f32 v32, v51;
	v3 =	vsub.f32 v58, v3  }
0x75: {  	v60 =	vmovc v24;
	v6 =	vsub.f32 v40, v6;
	v31 =	vmax.f32 v31, v48;
	v55 =	vmin.f32 v34, v48  }
0x76: {  	[tilespmem:s19+$0xFFFFFFD0] =	vst v5;
	v5 =	vsub.f32 v50, v52;
	v52 =	vmul.f32 v4, v49;
	v50 =	vmul.f32 v4, v7  }
0x77: {  	v30 =	vmovc v27;
	v27 =	vmax.f32 v27, v55;
	v2 =	vmul.f32 v63, v56;
	v56 =	vmul.f32 v63, v49  }
0x78: {  	v29 =	vmax.f32 v29, v3;
	[tilespmem:s19+$0xFFFFFFF0] =	vst v5;
	v5 =	vadd.f32 v52, v50;
	v50 =	vmul.f32 v52, v50  }
0x79: {  	v7 =	vmul.f32 v57, v49;
	[tilespmem:s19+$0xFFFFFFE0] =	vst v1;
	v1 =	vadd.f32 v56, v2;
	v2 =	vmul.f32 v56, v2  }
0x7a: {  	v61 =	vmovc v25;
	v4 =	vsub.f32 v4, v52;
	v49 =	vmul.f32 v39, v49;
	v5 =	vsub.f32 v5, v50  }
0x7b: {  	v33 =	vmovc v26;
	v1 =	vsub.f32 v1, v2;
	v2 =	vadd.f32 v7, v59;
	v59 =	vmul.f32 v7, v59  }
0x7c: {  	v0 =	vmovc v22;
	v50 =	vadd.f32 v49, v53;
	v53 =	vmul.f32 v49, v53;
	v62 =	vsub.f32 v63, v56  }
0x7d: {  	p1 =	sne.s32 s29, $0xFC0;
	v28 =	vmax.f32 v28, v6;
	[tilespmem:s19+$0x10] =	vst v5;
	v63 =	vsub.f32 v57, v7;
	v54 =	vsub.f32 v2, v59  }
.Ltmp0:
0x7e: {  	v24 =	vmax.f32 v24, v4;
	v7 =	vsub.f32 v39, v49;
	[tilespmem:s19+$0x0] =	vst v1;
	v59 =	vsub.f32 v50, v53;
	(pc) =	sbr.rel @p1 .LBB2_3-.Ltmp0, $4  }
0x7f: {  	v23 =	vmax.f32 v23, v62;
	v25 =	vmax.f32 v25, v63;
	v49 =	vmin.f32 v38, v6;
	[tilespmem:s19+$0x20] =	vst v54  }
0x80: {  	v34 =	vmovc v31;
	v48 =	vmin.f32 v61, v63;
	v38 =	vmov v28;
	v22 =	vmax.f32 v22, v7;
	[tilespmem:s19+$0x30] =	vst v59;
	s19 =	sadd.s32 $0x80, s19  }
0x81: {  	v53 =	vmin.f32 v36, v3;
	v50 =	vmin.f32 v60, v4;
	v36 =	vmovc v29;
	v54 =	vmin.f32 v35, v51;
	v40 =	vld [tilespmem:s19+$0xFFFFFFF0]  }
0x82: {  	s30 =	sshra.s32 s29, $0x2;
	s29 =	sadd.s32 $0x40, s29;
	v52 =	vmin.f32 v0, v7;
	v35 =	vmovc v32;
	v51 =	vmin.f32 v47, v62;
	v39 =	vld [tilespmem:s19+$0x30];
	v26 =	vmax.f32 v26, v54  }
0x83: {  	_ =	sdelay $0x3  }
0x84: {  	v0 =	vld.idx.msk [tilespmem:v37+s30+$0x0 ss:$0x1], $0xffff  }
0x85: {  	v6 =	vld [tilespmem:s19+$0xFFFFFFE0]  }
0x86: {  	v2 =	vld [tilespmem:s19+$0xFFFFFFC0]  }
0x87: {  	v3 =	vld [tilespmem:s19+$0xFFFFFFD0]  }
0x88: {  	v59 =	vld [tilespmem:$0x1FFB0]  }
0x89: {  	v60 =	vld [tilespmem:$0x1FFA0]  }
0x8a: {  	v61 =	vld [tilespmem:$0x1FF80]  }
0x8b: {  	v62 =	vld [tilespmem:$0x1FF90];
	_ =	sdelay $0x1  }
0x8c: {  	v1 =	vmax.f32 v21, v53  }
0x8d: {  	v58 =	vmax.f32 v20, v49;
	v0 =	vsub.f32 $1.000000000e+00, v0;
	v4 =	vmul.f32 v40, v59  }
0x8e: {  	v20 =	vmin.f32 v33, v54;
	v54 =	vld [tilespmem:s19+$0x0];
	v5 =	vmul.f32 v6, v60;
	v7 =	vmul.f32 v2, v61  }
0x8f: {  	v21 =	vmin.f32 v30, v55;
	v57 =	vld [tilespmem:s19+$0x10];
	v63 =	vmul.f32 v3, v62;
	v33 =	vmul.f32 v0, v2  }
0x90: {  	v46 =	vmin.f32 v46, v53;
	v61 =	vld [tilespmem:$0x1FFC0];
	v47 =	vmul.f32 v3, v0;
	v56 =	vmul.f32 v6, v0  }
0x91: {  	[tilespmem:$0x1FF60] =	vst v1;
	v62 =	vld [tilespmem:$0x1FFD0];
	v60 =	vmul.f32 v40, v0;
	v1 =	vadd.f32 v33, v7;
	v7 =	vmul.f32 v33, v7  }
0x92: {  	[tilespmem:$0x1FF70] =	vst v58;
	v58 =	vld [tilespmem:s19+$0x20];
	v59 =	vadd.f32 v47, v63;
	v37 =	vmul.f32 v47, v63;
	v53 =	vadd.f32 v56, v5  }
0x93: {  	v5 =	vmul.f32 v56, v5;
	v55 =	vmul.f32 v60, v4;
	v4 =	vadd.f32 v60, v4;
	v63 =	vld [tilespmem:$0x1FFE0]  }
0x94: {  	v30 =	vld [tilespmem:$0x1FFF0];
	v7 =	vsub.f32 v1, v7;
	v37 =	vsub.f32 v59, v37  }
0x95: {  	v59 =	vmul.f32 v54, v61;
	v61 =	vmul.f32 v54, v0;
	v5 =	vsub.f32 v53, v5  }
0x96: {  	v53 =	vmul.f32 v57, v62;
	v62 =	vmul.f32 v57, v0;
	v4 =	vsub.f32 v4, v55  }
0x97: {  	v55 =	vmul.f32 v61, v59;
	[tilespmem:s19+$0xFFFFFFC0] =	vst v7;
	v7 =	vadd.f32 v61, v59;
	v59 =	vmul.f32 v58, v0  }
0x98: {  	v1 =	vmul.f32 v62, v53;
	v63 =	vmul.f32 v58, v63  }
0x99: {  	[tilespmem:s19+$0xFFFFFFD0] =	vst v37;
	v37 =	vadd.f32 v62, v53;
	v0 =	vmul.f32 v39, v0;
	v53 =	vmul.f32 v39, v30  }
0x9a: {  	[tilespmem:s19+$0xFFFFFFE0] =	vst v5;
	v5 =	vsub.f32 v7, v55;
	v7 =	vadd.f32 v59, v63;
	v55 =	vmul.f32 v59, v63  }
0x9b: {  	[tilespmem:s19+$0xFFFFFFF0] =	vst v4;
	v1 =	vsub.f32 v37, v1;
	v4 =	vadd.f32 v0, v53;
	v63 =	vmul.f32 v0, v53  }
0x9c: {  	v43 =	vmin.f32 v43, v49;
	[tilespmem:s19+$0x0] =	vst v5;
	v53 =	vsub.f32 v7, v55  }
0x9d: {  	v19 =	vmax.f32 v19, v20;
	v2 =	vsub.f32 v2, v33;
	[tilespmem:s19+$0x10] =	vst v1;
	v55 =	vsub.f32 v4, v63  }
0x9e: {  	s9 =	sshrl.u32 s9, $0x3;
	v20 =	vmax.f32 v8, v52;
	v8 =	vmin.f32 v41, v52;
	v49 =	vmax.f32 v16, v43;
	[tilespmem:s19+$0x20] =	vst v53  }
0x9f: {  	s9 =	sadd.s32 s3, s9;
	v3 =	vsub.f32 v3, v47;
	v6 =	vsub.f32 v6, v56;
	v33 =	vmax.f32 v32, v2;
	[tilespmem:s19+$0x30] =	vst v55  }
0xa0: {  	v2 =	vmin.f32 v35, v2;
	v0 =	vsub.f32 v39, v0;
	v5 =	vmax.f32 v9, v48;
	[hbm4b:s9+s16] =	stream.strided.scatter [tilespmem:s4], [sflag:$0x5], $0x2000, s17, s16, $0x38;
	[tilespmem:$0x18100] =	vst v63  }
0xa1: {  	v9 =	vmin.f32 v42, v48;
	v1 =	vmax.f32 v18, v21;
	v18 =	vmax.f32 v17, v46;
	_ =	swait.ge [sflag:s22], $0x2000  }
0xa2: {  	v7 =	vmax.f32 v14, v51;
	v14 =	vmin.f32 v44, v51;
	v4 =	vmax.f32 v12, v50;
	[sflag:s22] =	ssyncset.done $0x0  }
0xa3: {  	v12 =	vmin.f32 v45, v50;
	v43 =	vmax.f32 v11, v9;
	v44 =	vmax.f32 v10, v8;
	s19 =	simm.s32 @!p0 $0x8;
	s9 =	sshll.u32 s7, $0xC;
	[sflag:s22] =	ssyncadd.s32 $0xFFFFE000  }
0xa4: {  	v8 =	vsub.f32 v40, v60;
	v40 =	vmax.f32 v31, v3;
	v9 =	vsub.f32 v54, v61;
	s9 =	sor.u32 s5, s9;
	_ =	swait.ge @!p0 [sflag:s19], $0x2000  }
0xa5: {  	v10 =	vsub.f32 v57, v62;
	v45 =	vmax.f32 v29, v6;
	v11 =	vsub.f32 v58, v59;
	s9 =	sor.u32 $0xC0000, s9;
	v17 =	vld [tilespmem:$0x1FF60]  }
0xa6: {  	v3 =	vmin.f32 v34, v3;
	v6 =	vmin.f32 v36, v6;
	v41 =	vmax.f32 v15, v14;
	s9 =	sshrl.u32 s9, $0x3;
	[sflag:s19] =	ssyncset.done @!p0 $0x0;
	v21 =	vld [tilespmem:$0x1FF70]  }
0xa7: {  	s29 =	simm.s32 $0x2040;
	v37 =	vmax.f32 v27, v3;
	v3 =	vmin.f32 v27, v3;
	v46 =	vmax.f32 v28, v8;
	v59 =	vld [tilespmem:$0x1FFB0];
	[sflag:s19] =	ssyncadd.s32 @!p0 $0xFFFFE000;
	s19 =	sadd.s32 s1, s9  }
0xa8: {  	v47 =	vmax.f32 v23, v9;
	v28 =	vmov s14;
	v48 =	vmax.f32 v24, v10;
	v60 =	vld [tilespmem:$0x1FF90];
	[tilespmem:s23], [sflag:$0x4] =	stream.strided.gather [hbm4b:s19+s16], $0x2000, s17, s16, $0x38  }
0xa9: {  	v35 =	vmax.f32 v25, v11;
	v14 =	vmin.f32 v23, v9;
	v15 =	vmin.f32 v24, v10;
	v23 =	vld [tilespmem:s29+$0xFFFFFFF0]  }
0xaa: {  	v24 =	vmin.f32 v25, v11;
	v27 =	vld [tilespmem:s29+$0xFFFFFFE0];
	v16 =	vmax.f32 v17, v6;
	v6 =	vmin.f32 v17, v6  }
0xab: {  	v11 =	vmax.f32 v7, v14;
	v7 =	vmin.f32 v7, v14;
	v14 =	vmax.f32 v18, v6;
	v18 =	vld [tilespmem:$0x1FFA0]  }
0xac: {  	s19 =	simm.s32 $0x0;
	v25 =	vld [tilespmem:s29+$0x30]  }
0xad: {  	v52 =	vmax.f32 v22, v0;
	v0 =	vmin.f32 v22, v0;
	v22 =	vld.idx.msk [tilespmem:v28+s19+$0x0 ss:$0x1], $0xffff  }
0xae: {  	v39 =	vmax.f32 v26, v2;
	v34 =	vld [tilespmem:s29+$0x20]  }
0xaf: {  	v2 =	vmin.f32 v26, v2;
	v63 =	vmax.f32 v13, v12;
	v13 =	vmin.f32 v38, v8;
	v29 =	vld [tilespmem:s29+$0xFFFFFFC0]  }
0xb0: {  	v9 =	vmax.f32 v20, v0;
	v0 =	vmin.f32 v20, v0;
	v20 =	vmul.f32 v27, v18;
	v18 =	vld [tilespmem:$0x1FFE0]  }
0xb1: {  	v8 =	vmax.f32 v5, v24;
	v17 =	vmax.f32 v19, v2;
	v2 =	vmin.f32 v5, v24;
	v5 =	vld [tilespmem:s29+$0xFFFFFFD0]  }
0xb2: {  	v10 =	vmax.f32 v4, v15;
	v4 =	vmin.f32 v4, v15;
	v36 =	vld [tilespmem:s29+$0x0]  }
0xb3: {  	v38 =	vld [tilespmem:s29+$0x10];
	v12 =	vmax.f32 v21, v13;
	v21 =	vmin.f32 v21, v13;
	v13 =	vmax.f32 v1, v3  }
0xb4: {  	v15 =	vmax.f32 v49, v21;
	v58 =	vsub.f32 $1.000000000e+00, v22;
	v3 =	vmul.f32 v23, v59  }
0xb5: {  	v6 =	vmul.f32 v25, v30;
	v21 =	vmul.f32 v34, v18;
	v18 =	vmax.f32 v41, v7;
	v7 =	vld [tilespmem:$0x1FF80]  }
0xb6: {  	v19 =	vmax.f32 v63, v4;
	v22 =	vmul.f32 v58, v29;
	v4 =	vmul.f32 v5, v60  }
0xb7: {  	v24 =	vmul.f32 v5, v58;
	v31 =	vmul.f32 v27, v58  }
0xb8: {  	v42 =	vmul.f32 v36, v58;
	v49 =	vmul.f32 v38, v58  }
0xb9: {  	v30 =	vadd.f32 v24, v4;
	v4 =	vmul.f32 v24, v4;
	v41 =	vmul.f32 v23, v58  }
0xba: {  	v1 =	vmul.f32 v25, v58;
	v7 =	vmul.f32 v29, v7  }
0xbb: {  	v4 =	vsub.f32 v30, v4;
	v30 =	vadd.f32 v41, v3;
	v3 =	vmul.f32 v41, v3  }
0xbc: {  	v57 =	vadd.f32 v1, v6;
	v26 =	vadd.f32 v22, v7;
	v7 =	vmul.f32 v22, v7  }
0xbd: {  	v50 =	vmul.f32 v34, v58;
	v60 =	vsub.f32 v5, v24;
	v3 =	vsub.f32 v30, v3;
	v30 =	vld [tilespmem:$0x1FFD0]  }
0xbe: {  	v7 =	vsub.f32 v26, v7;
	v26 =	vadd.f32 v31, v20;
	v20 =	vmul.f32 v31, v20  }
0xbf: {  	v6 =	vmul.f32 v1, v6;
	v24 =	vsub.f32 v38, v49;
	v1 =	vsub.f32 v25, v1  }
0xc0: {  	v54 =	vmin.f32 v40, v60;
	v58 =	vsub.f32 v29, v22;
	v20 =	vsub.f32 v26, v20;
	v26 =	vld [tilespmem:$0x1FFC0]  }
0xc1: {  	v25 =	vmax.f32 v37, v54;
	v63 =	vadd.f32 v50, v21;
	v21 =	vmul.f32 v50, v21  }
0xc2: {  	v32 =	vmax.f32 v33, v58;
	v55 =	vmin.f32 v33, v58;
	v30 =	vmul.f32 v38, v30  }
0xc3: {  	v59 =	vsub.f32 v63, v21;
	v63 =	vsub.f32 v34, v50;
	v50 =	vmin.f32 v48, v24  }
0xc4: {  	[tilespmem:s29+$0xFFFFFFD0] =	vst v4;
	v22 =	vmax.f32 v48, v24;
	v62 =	vadd.f32 v49, v30;
	v30 =	vmul.f32 v49, v30  }
0xc5: {  	v34 =	vmovc v32;
	v48 =	vmin.f32 v35, v63;
	v24 =	vmax.f32 v39, v55;
	v26 =	vmul.f32 v36, v26  }
0xc6: {  	[tilespmem:s29+$0xFFFFFFC0] =	vst v7;
	v7 =	vsub.f32 v36, v42;
	v51 =	vsub.f32 v62, v30;
	v30 =	vmax.f32 v44, v0  }
0xc7: {  	[tilespmem:s29+$0xFFFFFFF0] =	vst v3;
	v62 =	vsub.f32 v27, v31;
	v61 =	vadd.f32 v42, v26;
	v26 =	vmul.f32 v42, v26  }
0xc8: {  	[tilespmem:s29+$0xFFFFFFE0] =	vst v20;
	v31 =	vmax.f32 v40, v60;
	v21 =	vmax.f32 v47, v7;
	v20 =	vmax.f32 v52, v1  }
0xc9: {  	[tilespmem:s29+$0x20] =	vst v59;
	v52 =	vmin.f32 v52, v1;
	v44 =	vmovc v11;
	v33 =	vmov v31;
	v53 =	vsub.f32 v61, v26  }
0xca: {  	v29 =	vmax.f32 v45, v62;
	[tilespmem:s29+$0x10] =	vst v51;
	v61 =	vsub.f32 v57, v6;
	v6 =	vsub.f32 v23, v41  }
0xcb: {  	s19 =	simm.s32 $0x20C0;
	v51 =	vmin.f32 v47, v7;
	v26 =	vmax.f32 v43, v2;
	v23 =	vmax.f32 v35, v63;
	[tilespmem:s29+$0x0] =	vst v53  }
0xcc: {  	v42 =	vmovc v9;
	v43 =	vmovc v12;
	v41 =	vmov v8;
	v35 =	vmov v29;
	v27 =	vmax.f32 v46, v6;
	[tilespmem:s29+$0x30] =	vst v61;
	v40 =	vld [tilespmem:s19+$0xFFFFFFF0]  }
0xcd: {  	s30 =	simm.s32 $0x10;
	s7 =	sor.u32 $0x40, s7;
	v53 =	vmin.f32 v45, v62;
	v49 =	vmin.f32 v46, v6;
	s29 =	simm.s32 $0x80;
	v45 =	vmovc v16;
	v46 =	vmovc v10;
	v38 =	vld [tilespmem:s19+$0x30];
	v36 =	vmov v27  }
.LBB2_5:
0xce: {  	v0 =	vld.idx.msk [tilespmem:v28+s30+$0x0 ss:$0x1], $0xffff  }
0xcf: {  	v1 =	vld [tilespmem:s19+$0x20]  }
0xd0: {  	v2 =	vld [tilespmem:s19+$0xFFFFFFE0]  }
0xd1: {  	v6 =	vld [tilespmem:s19+$0xFFFFFFC0]  }
0xd2: {  	v12 =	vmax.f32 v12, v49;
	v7 =	vmin.f32 v43, v49;
	v49 =	vld [tilespmem:s19+$0xFFFFFFD0]  }
0xd3: {  	v16 =	vmax.f32 v16, v53;
	v58 =	vld [tilespmem:$0x1FFB0]  }
0xd4: {  	v11 =	vmax.f32 v11, v51;
	v10 =	vmax.f32 v10, v50;
	v8 =	vmax.f32 v8, v48;
	v59 =	vld [tilespmem:$0x1FFF0]  }
0xd5: {  	v9 =	vmax.f32 v9, v52;
	v3 =	vmin.f32 v39, v55;
	v4 =	vmin.f32 v37, v54;
	v61 =	vld [tilespmem:$0x1FF80]  }
0xd6: {  	v5 =	vmin.f32 v45, v53;
	v56 =	vmin.f32 v44, v51;
	v57 =	vmin.f32 v46, v50;
	v62 =	vld [tilespmem:$0x1FF90]  }
0xd7: {  	v60 =	vld [tilespmem:$0x1FFE0];
	v17 =	vmax.f32 v17, v3;
	v3 =	vmin.f32 v41, v48;
	v48 =	vmin.f32 v42, v52  }
0xd8: {  	v13 =	vmax.f32 v13, v4;
	v15 =	vmax.f32 v15, v7;
	v7 =	vld [tilespmem:$0x1FFA0];
	v0 =	vsub.f32 $1.000000000e+00, v0  }
0xd9: {  	v14 =	vmax.f32 v14, v5;
	v18 =	vmax.f32 v18, v56;
	v4 =	vmul.f32 v40, v58  }
0xda: {  	v19 =	vmax.f32 v19, v57;
	v63 =	vmul.f32 v6, v61;
	v51 =	vmul.f32 v0, v6  }
0xdb: {  	v47 =	vmovc v21;
	v55 =	vld [tilespmem:s19+$0x0];
	v26 =	vmax.f32 v26, v3;
	v5 =	vmul.f32 v38, v59;
	v53 =	vmul.f32 v49, v62  }
0xdc: {  	v39 =	vmovc v24;
	v54 =	vmul.f32 v49, v0;
	v57 =	vadd.f32 v51, v63;
	v58 =	vmul.f32 v51, v63;
	v63 =	vld [tilespmem:$0x1FFC0]  }
0xdd: {  	v37 =	vmovc v25;
	v30 =	vmax.f32 v30, v48;
	v50 =	vmul.f32 v1, v60;
	v7 =	vmul.f32 v2, v7  }
0xde: {  	v45 =	vmovc v16;
	v59 =	vmul.f32 v2, v0;
	v61 =	vadd.f32 v54, v53;
	v6 =	vsub.f32 v6, v51  }
0xdf: {  	v43 =	vmovc v12;
	v60 =	vld [tilespmem:s19+$0x10];
	v53 =	vmul.f32 v54, v53;
	v48 =	vsub.f32 v49, v54;
	v57 =	vsub.f32 v57, v58  }
0xe0: {  	v44 =	vmovc v11;
	v62 =	vmul.f32 v40, v0;
	v2 =	vsub.f32 v2, v59;
	v58 =	vadd.f32 v59, v7  }
0xe1: {  	v7 =	vmul.f32 v59, v7;
	v53 =	vsub.f32 v61, v53;
	[tilespmem:s19+$0xFFFFFFC0] =	vst v57;
	v57 =	vmul.f32 v55, v63;
	v63 =	vld [tilespmem:$0x1FFD0]  }
0xe2: {  	v46 =	vmovc v10;
	v61 =	vadd.f32 v62, v4;
	v4 =	vmul.f32 v62, v4;
	v32 =	vmax.f32 v32, v6  }
0xe3: {  	v41 =	vmovc v8;
	v59 =	vsub.f32 v40, v62;
	v31 =	vmax.f32 v31, v48;
	v29 =	vmax.f32 v29, v2  }
0xe4: {  	v42 =	vmovc v9;
	v54 =	vmin.f32 v33, v48;
	v4 =	vsub.f32 v61, v4;
	v61 =	vmul.f32 v60, v0  }
0xe5: {  	v52 =	vmovc v22;
	v25 =	vmax.f32 v25, v54;
	v7 =	vsub.f32 v58, v7;
	v58 =	vmul.f32 v55, v0  }
0xe6: {  	[tilespmem:s19+$0xFFFFFFD0] =	vst v53;
	v27 =	vmax.f32 v27, v59;
	v62 =	vsub.f32 v60, v61;
	v53 =	vmul.f32 v60, v63  }
0xe7: {  	[tilespmem:s19+$0xFFFFFFE0] =	vst v7;
	v7 =	vadd.f32 v58, v57;
	v57 =	vmul.f32 v58, v57;
	v63 =	vmul.f32 v1, v0  }
0xe8: {  	[tilespmem:s19+$0xFFFFFFF0] =	vst v4;
	v0 =	vmul.f32 v38, v0;
	v4 =	vadd.f32 v61, v53;
	v53 =	vmul.f32 v61, v53  }
0xe9: {  	v56 =	vmovc v23;
	v7 =	vsub.f32 v7, v57;
	v57 =	vadd.f32 v63, v50;
	v50 =	vmul.f32 v63, v50  }
0xea: {  	v3 =	vmovc v20;
	v4 =	vsub.f32 v4, v53;
	v53 =	vadd.f32 v0, v5;
	v5 =	vmul.f32 v0, v5  }
0xeb: {  	p0 =	sne.s32 s29, $0xFC0;
	v49 =	vmin.f32 v36, v59;
	[tilespmem:s19+$0x0] =	vst v7;
	v1 =	vsub.f32 v1, v63;
	v7 =	vsub.f32 v57, v50  }
.Ltmp1:
0xec: {  	v33 =	vmovc v31;
	v36 =	vmov v27;
	v22 =	vmax.f32 v22, v62;
	[tilespmem:s19+$0x10] =	vst v4;
	v57 =	vsub.f32 v53, v5;
	(pc) =	sbr.rel @p0 .LBB2_5-.Ltmp1, $4  }
0xed: {  	v0 =	vsub.f32 v38, v0;
	v23 =	vmax.f32 v23, v1;
	v50 =	vmin.f32 v52, v62;
	[tilespmem:s19+$0x20] =	vst v7  }
0xee: {  	v48 =	vmin.f32 v56, v1;
	v7 =	vsub.f32 v55, v58;
	v55 =	vmin.f32 v34, v6;
	[tilespmem:s19+$0x30] =	vst v57;
	s19 =	sadd.s32 $0x80, s19  }
0xef: {  	v20 =	vmax.f32 v20, v0;
	v34 =	vmovc v32;
	v53 =	vmin.f32 v35, v2;
	v52 =	vmin.f32 v3, v0;
	v40 =	vld [tilespmem:s19+$0xFFFFFFF0]  }
0xf0: {  	s30 =	sshra.s32 s29, $0x2;
	s29 =	sadd.s32 $0x40, s29;
	v35 =	vmovc v29;
	v24 =	vmax.f32 v24, v55;
	v21 =	vmax.f32 v21, v7;
	v51 =	vmin.f32 v47, v7;
	v38 =	vld [tilespmem:s19+$0x30]  }
0xf1: {  	_ =	sdelay $0x3  }
0xf2: {  	v0 =	vld.idx.msk [tilespmem:v28+s30+$0x0 ss:$0x1], $0xffff  }
0xf3: {  	v2 =	vld [tilespmem:s19+$0xFFFFFFE0]  }
0xf4: {  	v28 =	vld [tilespmem:s19+$0xFFFFFFC0]  }
0xf5: {  	v1 =	vld [tilespmem:$0x1FFB0]  }
0xf6: {  	v60 =	vld [tilespmem:$0x1FFA0]  }
0xf7: {  	v61 =	vld [tilespmem:$0x1FF80]  }
0xf8: {  	v7 =	vld [tilespmem:s19+$0xFFFFFFD0]  }
0xf9: {  	v63 =	vld [tilespmem:$0x1FF90];
	v0 =	vsub.f32 $1.000000000e+00, v0;
	_ =	sdelay $0x1  }
0xfa: {  	v62 =	vmin.f32 v39, v55;
	v5 =	vmul.f32 v2, v60;
	v57 =	vmul.f32 v2, v0  }
0xfb: {  	v55 =	vld [tilespmem:s19+$0x0];
	v37 =	vmin.f32 v37, v54;
	v4 =	vmul.f32 v40, v1;
	v6 =	vmul.f32 v28, v61  }
0xfc: {  	v58 =	vld [tilespmem:s19+$0x10];
	v3 =	vmul.f32 v0, v28;
	v54 =	vadd.f32 v57, v5;
	v5 =	vmul.f32 v57, v5  }
0xfd: {  	v1 =	vmul.f32 v7, v63;
	v63 =	vld [tilespmem:$0x1FFC0];
	v47 =	vmul.f32 v7, v0  }
0xfe: {  	v56 =	vadd.f32 v3, v6;
	v5 =	vsub.f32 v54, v5;
	v54 =	vld [tilespmem:$0x1FFD0]  }
0xff: {  	v6 =	vmul.f32 v3, v6;
	v60 =	vadd.f32 v47, v1;
	v39 =	vmul.f32 v47, v1  }
0x100: {  	v61 =	vmul.f32 v40, v0  }
0x101: {  	v6 =	vsub.f32 v56, v6;
	v39 =	vsub.f32 v60, v39  }
0x102: {  	v56 =	vmul.f32 v61, v4;
	v4 =	vadd.f32 v61, v4;
	v60 =	vmul.f32 v55, v63  }
0x103: {  	v59 =	vld [tilespmem:s19+$0x20];
	v63 =	vmul.f32 v58, v0;
	v54 =	vmul.f32 v58, v54  }
0x104: {  	[tilespmem:$0x1FF50] =	vst v2;
	v4 =	vsub.f32 v4, v56;
	v56 =	vld [tilespmem:$0x1FFE0]  }
0x105: {  	[tilespmem:s19+$0xFFFFFFD0] =	vst v39;
	v2 =	vmul.f32 v63, v54;
	v39 =	vadd.f32 v63, v54;
	v54 =	vld [tilespmem:$0x1FFF0]  }
0x106: {  	[tilespmem:$0x1FF30] =	vst v62;
	v62 =	vmul.f32 v55, v0;
	_ =	sdelay $0x1  }
0x107: {  	v1 =	vmul.f32 v62, v60  }
0x108: {  	[tilespmem:s19+$0xFFFFFFC0] =	vst v6;
	v6 =	vadd.f32 v62, v60;
	v60 =	vmul.f32 v59, v0;
	v56 =	vmul.f32 v59, v56  }
0x109: {  	[tilespmem:$0x1FF40] =	vst v7;
	v7 =	vmul.f32 v38, v0;
	v54 =	vmul.f32 v38, v54  }
0x10a: {  	[tilespmem:s19+$0xFFFFFFE0] =	vst v5;
	v1 =	vsub.f32 v6, v1;
	v5 =	vadd.f32 v60, v56;
	v6 =	vmul.f32 v60, v56  }
0x10b: {  	[tilespmem:s19+$0xFFFFFFF0] =	vst v4;
	v2 =	vsub.f32 v39, v2;
	v4 =	vadd.f32 v7, v54;
	v54 =	vmul.f32 v7, v54  }
0x10c: {  	s7 =	sshll.u32 s7, $0xC;
	[tilespmem:s19+$0x0] =	vst v1;
	v56 =	vsub.f32 v5, v6  }
0x10d: {  	s7 =	sor.u32 s5, s7;
	v6 =	vmin.f32 v43, v49;
	[tilespmem:s19+$0x10] =	vst v2;
	v43 =	vsub.f32 v4, v54  }
0x10e: {  	v16 =	vmax.f32 v16, v53;
	v45 =	vmin.f32 v45, v53;
	v13 =	vmax.f32 v13, v37;
	s7 =	sshrl.u32 s7, $0x3;
	[tilespmem:s19+$0x20] =	vst v56  }
0x10f: {  	v14 =	vmax.f32 v14, v45;
	s7 =	sadd.s32 s3, s7;
	v3 =	vsub.f32 v28, v3;
	v1 =	vmax.f32 v10, v50;
	[tilespmem:s19+$0x30] =	vst v43  }
0x110: {  	v10 =	vmin.f32 v46, v50;
	v50 =	vmax.f32 v8, v48;
	v8 =	vmin.f32 v41, v48;
	[hbm4b:s7+s16] =	stream.strided.scatter [tilespmem:s18], [sflag:$0x6], $0x2000, s17, s16, $0x38;
	[tilespmem:$0x18100] =	vst v63  }
0x111: {  	v41 =	vmax.f32 v32, v3;
	v3 =	vmin.f32 v34, v3;
	v5 =	vmax.f32 v12, v49;
	v49 =	vld [tilespmem:$0x1FF30];
	_ =	swait.ge [sflag:s24], $0x2000  }
0x112: {  	v19 =	vmax.f32 v19, v10;
	v10 =	vsub.f32 v40, v61;
	v39 =	vmax.f32 v24, v3;
	[sflag:s24] =	ssyncset.done $0x0  }
0x113: {  	p0 =	seq.s32 s8, $0xF;
	v3 =	vmin.f32 v24, v3;
	v12 =	vsub.f32 v58, v63;
	v6 =	vmax.f32 v15, v6;
	v54 =	vld [tilespmem:$0x1FF50];
	[sflag:s24] =	ssyncadd.s32 $0xFFFFE000  }
0x114: {  	s29 =	simm.s32 @!p0 $0x1000;
	v15 =	vsub.f32 v59, v60;
	v4 =	vmax.f32 v11, v51;
	v11 =	vmin.f32 v44, v51;
	s7 =	sadd.s32 @!p0 s10, s12;
	v53 =	vld [tilespmem:$0x1FF40];
	_ =	swait.ge [sflag:s25], $0x2000  }
0x115: {  	s30 =	simm.s32 @!p0 $0x0;
	v56 =	vmax.f32 v26, v8;
	v18 =	vmax.f32 v18, v11;
	v11 =	vsub.f32 v55, v62;
	s7 =	sshrl.u32 @!p0 s7, $0x3;
	[sflag:s25] =	ssyncset.done $0x0  }
0x116: {  	v26 =	vmov s31;
	v51 =	vmax.f32 v9, v52;
	v9 =	vmin.f32 v42, v52;
	s19 =	simm.s32 @!p0 $0x80;
	s7 =	sadd.s32 @!p0 s1, s7;
	v59 =	vld [tilespmem:$0x1FF80];
	[sflag:s25] =	ssyncadd.s32 $0xFFFFE000  }
0x117: {  	v17 =	vmax.f32 v17, v49;
	v30 =	vmax.f32 v30, v9;
	v44 =	vmax.f32 v21, v11;
	v60 =	vld [tilespmem:$0x1FF90];
	[tilespmem:s30], [sflag:$0x1] =	stream.strided.gather @!p0 [hbm4b:s7+s19], $0x2000, s29, s19, $0x38  }
0x118: {  	v21 =	vmin.f32 v21, v11;
	v9 =	vsub.f32 v54, v57;
	v57 =	vsub.f32 v38, v7;
	s19 =	simm.s32 $0x4040;
	v7 =	vld [tilespmem:$0x1FFF0]  }
0x119: {  	v11 =	vmax.f32 v4, v21;
	v4 =	vmin.f32 v4, v21;
	v8 =	vsub.f32 v53, v47;
	v21 =	vld [tilespmem:s19+$0xFFFFFFC0]  }
0x11a: {  	v45 =	vmax.f32 v22, v12;
	v34 =	vmax.f32 v23, v15;
	v17 =	vmax.f32 v17, v3;
	v3 =	vld [tilespmem:s19+$0xFFFFFFD0]  }
0x11b: {  	v23 =	vmin.f32 v23, v15;
	v38 =	vmax.f32 v27, v10;
	v40 =	vmax.f32 v31, v8;
	v31 =	vld [tilespmem:s19+$0xFFFFFFF0]  }
0x11c: {  	s30 =	simm.s32 $0x0;
	v46 =	vmax.f32 v20, v57;
	v27 =	vmin.f32 v33, v8;
	v28 =	vmin.f32 v35, v9;
	v33 =	vld [tilespmem:s19+$0x30]  }
0x11d: {  	v0 =	vmin.f32 v20, v57;
	v20 =	vld.idx.msk [tilespmem:v26+s30+$0x0 ss:$0x1], $0xffff;
	v15 =	vmax.f32 v16, v28;
	v16 =	vmin.f32 v16, v28  }
0x11e: {  	v22 =	vmin.f32 v22, v12;
	v2 =	vmin.f32 v50, v23;
	v14 =	vmax.f32 v14, v16;
	v16 =	vld [tilespmem:$0x1FFB0]  }
0x11f: {  	v47 =	vld [tilespmem:s19+$0x10];
	v42 =	vmax.f32 v29, v9;
	v29 =	vmin.f32 v36, v10;
	v10 =	vmax.f32 v1, v22  }
0x120: {  	v1 =	vmin.f32 v1, v22;
	v37 =	vmax.f32 v25, v27;
	v24 =	vmin.f32 v25, v27;
	v25 =	vld [tilespmem:s19+$0xFFFFFFE0]  }
0x121: {  	v18 =	vmax.f32 v18, v4;
	v8 =	vmax.f32 v50, v23;
	v36 =	vld [tilespmem:s19+$0x0];
	v19 =	vmax.f32 v19, v1  }
0x122: {  	v35 =	vld [tilespmem:s19+$0x20];
	v4 =	vmul.f32 v21, v59;
	v1 =	vmul.f32 v3, v60;
	v20 =	vsub.f32 $1.000000000e+00, v20  }
0x123: {  	v58 =	vld [tilespmem:$0x1FFA0];
	v12 =	vmax.f32 v5, v29;
	v23 =	vmul.f32 v33, v7;
	v22 =	vmul.f32 v31, v16  }
0x124: {  	v13 =	vmax.f32 v13, v24;
	v24 =	vmul.f32 v20, v21;
	v28 =	vmul.f32 v3, v20  }
0x125: {  	v9 =	vmax.f32 v51, v0;
	v43 =	vmul.f32 v25, v20;
	v48 =	vmul.f32 v31, v20  }
0x126: {  	v5 =	vmin.f32 v5, v29;
	v49 =	vmul.f32 v36, v20;
	v50 =	vmul.f32 v47, v20  }
0x127: {  	v0 =	vmin.f32 v51, v0;
	v51 =	vmul.f32 v35, v20;
	v20 =	vmul.f32 v33, v20  }
0x128: {  	v16 =	vmax.f32 v6, v5;
	v5 =	vmul.f32 v25, v58;
	v27 =	vadd.f32 v24, v4  }
0x129: {  	v4 =	vmul.f32 v24, v4;
	v29 =	vadd.f32 v28, v1;
	v57 =	vadd.f32 v20, v23  }
0x12a: {  	v6 =	vld [tilespmem:$0x1FFE0];
	v1 =	vmul.f32 v28, v1;
	v58 =	vsub.f32 v21, v24;
	v59 =	vsub.f32 v3, v28  }
0x12b: {  	v4 =	vsub.f32 v27, v4;
	v27 =	vadd.f32 v43, v5;
	v5 =	vmul.f32 v43, v5  }
0x12c: {  	v1 =	vsub.f32 v29, v1;
	v29 =	vadd.f32 v48, v22;
	v22 =	vmul.f32 v48, v22  }
0x12d: {  	v23 =	vmul.f32 v20, v23;
	v7 =	vsub.f32 v47, v50;
	v5 =	vsub.f32 v27, v5;
	v27 =	vld [tilespmem:$0x1FFC0]  }
0x12e: {  	v24 =	vsub.f32 v35, v51;
	v22 =	vsub.f32 v29, v22;
	v29 =	vld [tilespmem:$0x1FFD0]  }
0x12f: {  	v33 =	vsub.f32 v33, v20;
	v60 =	vsub.f32 v57, v23;
	v6 =	vmul.f32 v35, v6  }
0x130: {  	v32 =	vmax.f32 v41, v58;
	v55 =	vmin.f32 v41, v58;
	v23 =	vmax.f32 v34, v24  }
0x131: {  	v20 =	vmax.f32 v46, v33;
	v63 =	vadd.f32 v51, v6;
	v6 =	vmul.f32 v51, v6  }
0x132: {  	v54 =	vmin.f32 v40, v59;
	v41 =	vmov v8;
	[tilespmem:s19+$0xFFFFFFC0] =	vst v4;
	v27 =	vmul.f32 v36, v27  }
0x133: {  	[tilespmem:s19+$0xFFFFFFD0] =	vst v1;
	v6 =	vsub.f32 v63, v6;
	v63 =	vsub.f32 v36, v49;
	v29 =	vmul.f32 v47, v29  }
0x134: {  	[tilespmem:s19+$0xFFFFFFF0] =	vst v22;
	v22 =	vmax.f32 v45, v7;
	v61 =	vadd.f32 v49, v27;
	v27 =	vmul.f32 v49, v27  }
0x135: {  	[tilespmem:s19+$0x30] =	vst v60;
	v21 =	vmax.f32 v44, v63;
	v62 =	vadd.f32 v50, v29;
	v29 =	vmul.f32 v50, v29  }
0x136: {  	[tilespmem:s19+$0xFFFFFFE0] =	vst v5;
	v51 =	vmin.f32 v44, v63;
	v50 =	vmin.f32 v45, v7;
	v53 =	vsub.f32 v61, v27  }
0x137: {  	[tilespmem:s19+$0x20] =	vst v6;
	v52 =	vsub.f32 v62, v29;
	v27 =	vmax.f32 v56, v2;
	v29 =	vmax.f32 v30, v0  }
0x138: {  	v44 =	vmovc v15;
	v61 =	vsub.f32 v25, v43;
	v62 =	vsub.f32 v31, v48;
	v31 =	vmax.f32 v40, v59  }
0x139: {  	v48 =	vmin.f32 v34, v24;
	v24 =	vmax.f32 v39, v55;
	v25 =	vmax.f32 v37, v54;
	[tilespmem:s19+$0x0] =	vst v53  }
0x13a: {  	s7 =	simm.s32 $0x40C0;
	v45 =	vmovc v11;
	v43 =	vmov v12;
	v30 =	vmax.f32 v42, v61;
	v28 =	vmax.f32 v38, v62;
	[tilespmem:s19+$0x10] =	vst v52  }
0x13b: {  	v34 =	vmovc v32;
	v53 =	vmin.f32 v42, v61;
	v49 =	vmin.f32 v38, v62;
	v52 =	vmin.f32 v46, v33;
	v40 =	vld [tilespmem:s7+$0xFFFFFFF0]  }
0x13c: {  	s29 =	simm.s32 $0x10;
	s19 =	simm.s32 $0x80;
	v46 =	vmovc v10;
	v42 =	vmovc v9;
	v33 =	vmov v31;
	v38 =	vld [tilespmem:s7+$0x30];
	v35 =	vmov v30;
	v36 =	vmov v28  }
.LBB2_7:
0x13d: {  	v0 =	vld.idx.msk [tilespmem:v26+s29+$0x0 ss:$0x1], $0xffff  }
0x13e: {  	v1 =	vld [tilespmem:s7+$0x20]  }
0x13f: {  	v2 =	vld [tilespmem:s7+$0xFFFFFFE0]  }
0x140: {  	v6 =	vld [tilespmem:s7+$0xFFFFFFC0]  }
0x141: {  	v12 =	vmax.f32 v12, v49;
	v7 =	vmin.f32 v43, v49;
	v49 =	vld [tilespmem:s7+$0xFFFFFFD0]  }
0x142: {  	v15 =	vmax.f32 v15, v53;
	v58 =	vld [tilespmem:$0x1FFB0]  }
0x143: {  	v11 =	vmax.f32 v11, v51;
	v10 =	vmax.f32 v10, v50;
	v8 =	vmax.f32 v8, v48;
	v59 =	vld [tilespmem:$0x1FFF0]  }
0x144: {  	v9 =	vmax.f32 v9, v52;
	v3 =	vmin.f32 v39, v55;
	v4 =	vmin.f32 v37, v54;
	v61 =	vld [tilespmem:$0x1FF80]  }
0x145: {  	v5 =	vmin.f32 v44, v53;
	v56 =	vmin.f32 v45, v51;
	v57 =	vmin.f32 v46, v50;
	v62 =	vld [tilespmem:$0x1FF90]  }
0x146: {  	v60 =	vld [tilespmem:$0x1FFE0];
	v17 =	vmax.f32 v17, v3;
	v3 =	vmin.f32 v41, v48;
	v48 =	vmin.f32 v42, v52  }
0x147: {  	v13 =	vmax.f32 v13, v4;
	v16 =	vmax.f32 v16, v7;
	v7 =	vld [tilespmem:$0x1FFA0];
	v0 =	vsub.f32 $1.000000000e+00, v0  }
0x148: {  	v14 =	vmax.f32 v14, v5;
	v18 =	vmax.f32 v18, v56;
	v4 =	vmul.f32 v40, v58  }
0x149: {  	v19 =	vmax.f32 v19, v57;
	v63 =	vmul.f32 v6, v61;
	v51 =	vmul.f32 v0, v6  }
0x14a: {  	v47 =	vmovc v21;
	v55 =	vld [tilespmem:s7+$0x0];
	v27 =	vmax.f32 v27, v3;
	v5 =	vmul.f32 v38, v59;
	v53 =	vmul.f32 v49, v62  }
0x14b: {  	v39 =	vmovc v24;
	v54 =	vmul.f32 v49, v0;
	v57 =	vadd.f32 v51, v63;
	v58 =	vmul.f32 v51, v63;
	v63 =	vld [tilespmem:$0x1FFC0]  }
0x14c: {  	v37 =	vmovc v25;
	v29 =	vmax.f32 v29, v48;
	v50 =	vmul.f32 v1, v60;
	v7 =	vmul.f32 v2, v7  }
0x14d: {  	v44 =	vmovc v15;
	v59 =	vmul.f32 v2, v0;
	v61 =	vadd.f32 v54, v53;
	v6 =	vsub.f32 v6, v51  }
0x14e: {  	v43 =	vmovc v12;
	v60 =	vld [tilespmem:s7+$0x10];
	v53 =	vmul.f32 v54, v53;
	v48 =	vsub.f32 v49, v54;
	v57 =	vsub.f32 v57, v58  }
0x14f: {  	v45 =	vmovc v11;
	v62 =	vmul.f32 v40, v0;
	v2 =	vsub.f32 v2, v59;
	v58 =	vadd.f32 v59, v7  }
0x150: {  	v7 =	vmul.f32 v59, v7;
	v53 =	vsub.f32 v61, v53;
	[tilespmem:s7+$0xFFFFFFC0] =	vst v57;
	v57 =	vmul.f32 v55, v63;
	v63 =	vld [tilespmem:$0x1FFD0]  }
0x151: {  	v46 =	vmovc v10;
	v61 =	vadd.f32 v62, v4;
	v4 =	vmul.f32 v62, v4;
	v32 =	vmax.f32 v32, v6  }
0x152: {  	v41 =	vmovc v8;
	v59 =	vsub.f32 v40, v62;
	v31 =	vmax.f32 v31, v48;
	v30 =	vmax.f32 v30, v2  }
0x153: {  	v42 =	vmovc v9;
	v54 =	vmin.f32 v33, v48;
	v4 =	vsub.f32 v61, v4;
	v61 =	vmul.f32 v60, v0  }
0x154: {  	v52 =	vmovc v22;
	v25 =	vmax.f32 v25, v54;
	v7 =	vsub.f32 v58, v7;
	v58 =	vmul.f32 v55, v0  }
0x155: {  	[tilespmem:s7+$0xFFFFFFD0] =	vst v53;
	v28 =	vmax.f32 v28, v59;
	v62 =	vsub.f32 v60, v61;
	v53 =	vmul.f32 v60, v63  }
0x156: {  	[tilespmem:s7+$0xFFFFFFE0] =	vst v7;
	v7 =	vadd.f32 v58, v57;
	v57 =	vmul.f32 v58, v57;
	v63 =	vmul.f32 v1, v0  }
0x157: {  	[tilespmem:s7+$0xFFFFFFF0] =	vst v4;
	v0 =	vmul.f32 v38, v0;
	v4 =	vadd.f32 v61, v53;
	v53 =	vmul.f32 v61, v53  }
0x158: {  	v56 =	vmovc v23;
	v7 =	vsub.f32 v7, v57;
	v57 =	vadd.f32 v63, v50;
	v50 =	vmul.f32 v63, v50  }
0x159: {  	v3 =	vmovc v20;
	v4 =	vsub.f32 v4, v53;
	v53 =	vadd.f32 v0, v5;
	v5 =	vmul.f32 v0, v5  }
0x15a: {  	p1 =	sne.s32 s19, $0xFC0;
	v49 =	vmin.f32 v36, v59;
	[tilespmem:s7+$0x0] =	vst v7;
	v1 =	vsub.f32 v1, v63;
	v7 =	vsub.f32 v57, v50  }
.Ltmp2:
0x15b: {  	v33 =	vmovc v31;
	v36 =	vmov v28;
	v22 =	vmax.f32 v22, v62;
	[tilespmem:s7+$0x10] =	vst v4;
	v57 =	vsub.f32 v53, v5;
	(pc) =	sbr.rel @p1 .LBB2_7-.Ltmp2, $4  }
0x15c: {  	v0 =	vsub.f32 v38, v0;
	v23 =	vmax.f32 v23, v1;
	v50 =	vmin.f32 v52, v62;
	[tilespmem:s7+$0x20] =	vst v7  }
0x15d: {  	v48 =	vmin.f32 v56, v1;
	v7 =	vsub.f32 v55, v58;
	v55 =	vmin.f32 v34, v6;
	[tilespmem:s7+$0x30] =	vst v57;
	s7 =	sadd.s32 $0x80, s7  }
0x15e: {  	v20 =	vmax.f32 v20, v0;
	v34 =	vmovc v32;
	v53 =	vmin.f32 v35, v2;
	v52 =	vmin.f32 v3, v0;
	v40 =	vld [tilespmem:s7+$0xFFFFFFF0]  }
0x15f: {  	s29 =	sshra.s32 s19, $0x2;
	s19 =	sadd.s32 $0x40, s19;
	v35 =	vmovc v30;
	v24 =	vmax.f32 v24, v55;
	v21 =	vmax.f32 v21, v7;
	v51 =	vmin.f32 v47, v7;
	v38 =	vld [tilespmem:s7+$0x30]  }
0x160: {  	_ =	sdelay $0x3  }
0x161: {  	v0 =	vld.idx.msk [tilespmem:v26+s29+$0x0 ss:$0x1], $0xffff  }
0x162: {  	v2 =	vld [tilespmem:s7+$0xFFFFFFE0]  }
0x163: {  	v26 =	vld [tilespmem:s7+$0xFFFFFFC0]  }
0x164: {  	v1 =	vld [tilespmem:$0x1FFB0]  }
0x165: {  	v60 =	vld [tilespmem:$0x1FFA0]  }
0x166: {  	v61 =	vld [tilespmem:$0x1FF80]  }
0x167: {  	v7 =	vld [tilespmem:s7+$0xFFFFFFD0]  }
0x168: {  	v63 =	vld [tilespmem:$0x1FF90];
	v0 =	vsub.f32 $1.000000000e+00, v0;
	_ =	sdelay $0x1  }
0x169: {  	v62 =	vmin.f32 v39, v55;
	v5 =	vmul.f32 v2, v60;
	v57 =	vmul.f32 v2, v0  }
0x16a: {  	v55 =	vld [tilespmem:s7+$0x0];
	v37 =	vmin.f32 v37, v54;
	v4 =	vmul.f32 v40, v1;
	v6 =	vmul.f32 v26, v61  }
0x16b: {  	v58 =	vld [tilespmem:s7+$0x10];
	v3 =	vmul.f32 v0, v26;
	v54 =	vadd.f32 v57, v5;
	v5 =	vmul.f32 v57, v5  }
0x16c: {  	v1 =	vmul.f32 v7, v63;
	v63 =	vld [tilespmem:$0x1FFC0];
	v47 =	vmul.f32 v7, v0  }
0x16d: {  	v56 =	vadd.f32 v3, v6;
	v5 =	vsub.f32 v54, v5;
	v54 =	vld [tilespmem:$0x1FFD0]  }
0x16e: {  	v6 =	vmul.f32 v3, v6;
	v60 =	vadd.f32 v47, v1;
	v39 =	vmul.f32 v47, v1  }
0x16f: {  	v61 =	vmul.f32 v40, v0  }
0x170: {  	v6 =	vsub.f32 v56, v6;
	v39 =	vsub.f32 v60, v39  }
0x171: {  	v56 =	vmul.f32 v61, v4;
	v4 =	vadd.f32 v61, v4;
	v60 =	vmul.f32 v55, v63  }
0x172: {  	v59 =	vld [tilespmem:s7+$0x20];
	[tilespmem:$0x1FF00] =	vst v62;
	v63 =	vmul.f32 v58, v0;
	v54 =	vmul.f32 v58, v54  }
0x173: {  	[tilespmem:$0x1FF20] =	vst v2;
	v62 =	vmul.f32 v55, v0;
	v4 =	vsub.f32 v4, v56;
	v56 =	vld [tilespmem:$0x1FFE0]  }
0x174: {  	[tilespmem:s7+$0xFFFFFFD0] =	vst v39;
	v2 =	vmul.f32 v63, v54;
	v39 =	vadd.f32 v63, v54;
	v54 =	vld [tilespmem:$0x1FFF0]  }
0x175: {  	v1 =	vmul.f32 v62, v60;
	[tilespmem:s7+$0xFFFFFFC0] =	vst v6;
	v6 =	vadd.f32 v62, v60;
	_ =	sdelay $0x1  }
0x176: {  	v1 =	vsub.f32 v6, v1  }
0x177: {  	[tilespmem:$0x1FF10] =	vst v7;
	v60 =	vmul.f32 v59, v0;
	v56 =	vmul.f32 v59, v56  }
0x178: {  	v7 =	vmul.f32 v38, v0;
	[tilespmem:s7+$0x0] =	vst v1;
	v1 =	vmax.f32 v10, v50;
	v54 =	vmul.f32 v38, v54  }
0x179: {  	[tilespmem:s7+$0xFFFFFFE0] =	vst v5;
	v10 =	vmin.f32 v46, v50;
	v5 =	vadd.f32 v60, v56;
	v6 =	vmul.f32 v60, v56  }
0x17a: {  	[tilespmem:s7+$0xFFFFFFF0] =	vst v4;
	v46 =	vld [tilespmem:$0x1FF00];
	v2 =	vsub.f32 v39, v2;
	v4 =	vadd.f32 v7, v54;
	v54 =	vmul.f32 v7, v54  }
0x17b: {  	v56 =	vsub.f32 v5, v6  }
0x17c: {  	v6 =	vmin.f32 v43, v49;
	[tilespmem:s7+$0x10] =	vst v2;
	v43 =	vsub.f32 v4, v54  }
0x17d: {  	[tilespmem:s7+$0x20] =	vst v56  }
0x17e: {  	s19 =	sadd.s32 s3, s13;
	v9 =	vmax.f32 v9, v52;
	[tilespmem:s7+$0x30] =	vst v43  }
0x17f: {  	v5 =	vmax.f32 v12, v49;
	v12 =	vmax.f32 v17, v46;
	v49 =	vmax.f32 v8, v48;
	[hbm4b:s19+s16] =	stream.strided.scatter [tilespmem:s21], [sflag:$0x7], $0x2000, s17, s16, $0x38;
	[tilespmem:$0x18100] =	vst v63  }
0x180: {  	v8 =	vmin.f32 v41, v48;
	v17 =	vmin.f32 v42, v52;
	v52 =	vsub.f32 v38, v7;
	_ =	swait.ge [sflag:s26], $0x2000  }
0x181: {  	v54 =	vmax.f32 v27, v8;
	v27 =	vsub.f32 v58, v63;
	[sflag:s26] =	ssyncset.done $0x0  }
0x182: {  	v0 =	vmin.f32 v20, v52;
	v50 =	vld [tilespmem:$0x1FF10];
	[sflag:s26] =	ssyncadd.s32 $0xFFFFE000  }
0x183: {  	v4 =	vmax.f32 v11, v51;
	v11 =	vmin.f32 v45, v51;
	v42 =	vmax.f32 v22, v27;
	v51 =	vld [tilespmem:$0x1FF20];
	_ =	swait.ge [sflag:s28], $0x2000  }
0x184: {  	v22 =	vmin.f32 v22, v27;
	v27 =	vmax.f32 v9, v0;
	v0 =	vmin.f32 v9, v0;
	v9 =	vld [tilespmem:$0x1FFB0]  }
0x185: {  	v15 =	vmax.f32 v15, v53;
	v44 =	vmin.f32 v44, v53;
	s13 =	simm.s32 @!p0 $0x1000;
	s29 =	simm.s32 $0x6040;
	s7 =	sadd.s32 @!p0 s11, s12;
	v7 =	vld [tilespmem:$0x1FFF0]  }
0x186: {  	v13 =	vmax.f32 v13, v37;
	v3 =	vsub.f32 v26, v3;
	v26 =	vsub.f32 v55, v62;
	s12 =	simm.s32 @!p0 $0x80;
	s7 =	sshrl.u32 @!p0 s7, $0x3;
	[sflag:s28] =	ssyncset.done $0x0;
	v55 =	vld [tilespmem:$0x1FFA0]  }
0x187: {  	v6 =	vmax.f32 v16, v6;
	v16 =	vmax.f32 v19, v10;
	v19 =	vsub.f32 v40, v61;
	s19 =	simm.s32 @!p0 $0x2000;
	s7 =	sadd.s32 @!p0 s1, s7;
	v56 =	vld [tilespmem:$0x1FF80];
	[sflag:s28] =	ssyncadd.s32 $0xFFFFE000  }
0x188: {  	v14 =	vmax.f32 v14, v44;
	v11 =	vmax.f32 v18, v11;
	v18 =	vsub.f32 v51, v57;
	[tilespmem:s19], [sflag:$0x2] =	stream.strided.gather @!p0 [hbm4b:s7+s12], $0x2000, s13, s12, $0x38;
	v57 =	vld [tilespmem:$0x1FF90]  }
0x189: {  	v41 =	vmax.f32 v21, v26;
	v21 =	vmin.f32 v21, v26;
	v53 =	vmin.f32 v36, v19;
	v36 =	vld [tilespmem:s29+$0x30]  }
0x18a: {  	v29 =	vmax.f32 v29, v17;
	v10 =	vmax.f32 v32, v3;
	v17 =	vsub.f32 v50, v47;
	v44 =	vld [tilespmem:s29+$0x20]  }
0x18b: {  	v3 =	vmin.f32 v34, v3;
	v38 =	vmax.f32 v28, v19;
	v8 =	vmov s6;
	v45 =	vld [tilespmem:s29+$0xFFFFFFE0]  }
0x18c: {  	v26 =	vmax.f32 v4, v21;
	v32 =	vld [tilespmem:s29+$0x10];
	v39 =	vmax.f32 v31, v17;
	v40 =	vmax.f32 v30, v18  }
0x18d: {  	v30 =	vsub.f32 v59, v60;
	v28 =	vmin.f32 v33, v17;
	v31 =	vmin.f32 v35, v18;
	v33 =	vld [tilespmem:s29+$0xFFFFFFF0]  }
0x18e: {  	v35 =	vmax.f32 v24, v3;
	v18 =	vmax.f32 v5, v53;
	v3 =	vmin.f32 v24, v3;
	v60 =	vld [tilespmem:$0x1FFD0]  }
0x18f: {  	v5 =	vmin.f32 v5, v53;
	v37 =	vmax.f32 v25, v28;
	v24 =	vmin.f32 v25, v28;
	v25 =	vld [tilespmem:s29+$0xFFFFFFC0]  }
0x190: {  	s30 =	simm.s32 $0x0;
	v19 =	vmax.f32 v1, v22;
	v1 =	vmin.f32 v1, v22;
	v22 =	vmax.f32 v6, v5;
	v6 =	vld [tilespmem:$0x1FFE0]  }
0x191: {  	v4 =	vmin.f32 v4, v21;
	v34 =	vmax.f32 v23, v30;
	v23 =	vmin.f32 v23, v30;
	v30 =	vld.idx.msk [tilespmem:v8+s30+$0x0 ss:$0x1], $0xffff  }
0x192: {  	v17 =	vmax.f32 v15, v31;
	v15 =	vmin.f32 v15, v31;
	v21 =	vmax.f32 v12, v3;
	v3 =	vld [tilespmem:s29+$0xFFFFFFD0]  }
0x193: {  	v43 =	vmax.f32 v20, v52;
	v28 =	vmax.f32 v13, v24;
	v14 =	vmax.f32 v14, v15  }
0x194: {  	v20 =	vmax.f32 v49, v23;
	v2 =	vmin.f32 v49, v23;
	v15 =	vmul.f32 v36, v7  }
0x195: {  	v31 =	vld [tilespmem:s29+$0x0];
	v23 =	vmax.f32 v11, v4;
	v5 =	vmul.f32 v45, v55;
	v13 =	vmul.f32 v33, v9  }
0x196: {  	v46 =	vmul.f32 v32, v60;
	v6 =	vmul.f32 v44, v6;
	v12 =	vsub.f32 $1.000000000e+00, v30  }
0x197: {  	v9 =	vmax.f32 v16, v1;
	v4 =	vmul.f32 v25, v56;
	v1 =	vmul.f32 v3, v57  }
0x198: {  	v11 =	vmul.f32 v12, v25;
	v16 =	vmul.f32 v3, v12  }
0x199: {  	v30 =	vmul.f32 v45, v12;
	v47 =	vmul.f32 v33, v12  }
0x19a: {  	v48 =	vmul.f32 v31, v12;
	v49 =	vmul.f32 v32, v12  }
0x19b: {  	v51 =	vmul.f32 v44, v12;
	v12 =	vmul.f32 v36, v12  }
0x19c: {  	v24 =	vadd.f32 v11, v4;
	v4 =	vmul.f32 v11, v4;
	v58 =	vadd.f32 v16, v1  }
0x19d: {  	v1 =	vmul.f32 v16, v1;
	v59 =	vadd.f32 v47, v13;
	v62 =	vadd.f32 v49, v46  }
0x19e: {  	v13 =	vmul.f32 v47, v13;
	v63 =	vadd.f32 v51, v6;
	v56 =	vadd.f32 v12, v15  }
0x19f: {  	v4 =	vsub.f32 v24, v4;
	v24 =	vadd.f32 v30, v5;
	v5 =	vmul.f32 v30, v5  }
0x1a0: {  	v46 =	vmul.f32 v49, v46;
	v57 =	vsub.f32 v25, v11;
	v60 =	vsub.f32 v45, v30  }
0x1a1: {  	v6 =	vmul.f32 v51, v6;
	v7 =	vsub.f32 v32, v49;
	v5 =	vsub.f32 v24, v5;
	v24 =	vld [tilespmem:$0x1FFC0]  }
0x1a2: {  	v15 =	vmul.f32 v12, v15;
	v1 =	vsub.f32 v58, v1;
	v13 =	vsub.f32 v59, v13  }
0x1a3: {  	v25 =	vmax.f32 v29, v0;
	v46 =	vsub.f32 v62, v46;
	v6 =	vsub.f32 v63, v6  }
0x1a4: {  	v45 =	vmov v27;
	v58 =	vsub.f32 v3, v16;
	v59 =	vsub.f32 v56, v15;
	[tilespmem:s29+$0xFFFFFFC0] =	vst v4  }
0x1a5: {  	v29 =	vmax.f32 v10, v57;
	v62 =	vsub.f32 v31, v48;
	v15 =	vsub.f32 v44, v51;
	[tilespmem:s29+$0xFFFFFFD0] =	vst v1  }
0x1a6: {  	v63 =	vsub.f32 v36, v12;
	v11 =	vmax.f32 v42, v7;
	[tilespmem:s29+$0xFFFFFFF0] =	vst v13;
	v24 =	vmul.f32 v31, v24  }
0x1a7: {  	v51 =	vmin.f32 v40, v60;
	v30 =	vmax.f32 v39, v58;
	v12 =	vmax.f32 v41, v62;
	[tilespmem:s29+$0x10] =	vst v46  }
0x1a8: {  	v13 =	vmax.f32 v34, v15;
	[tilespmem:s29+$0x20] =	vst v6;
	v61 =	vadd.f32 v48, v24;
	v24 =	vmul.f32 v48, v24  }
0x1a9: {  	v52 =	vmin.f32 v39, v58;
	[tilespmem:s29+$0x30] =	vst v59;
	v53 =	vmin.f32 v41, v62;
	v55 =	vmin.f32 v43, v63  }
0x1aa: {  	v44 =	vmovc v20;
	v41 =	vmov v17;
	[tilespmem:s29+$0xFFFFFFE0] =	vst v5;
	v31 =	vmax.f32 v40, v60;
	v50 =	vsub.f32 v61, v24  }
0x1ab: {  	v46 =	vmovc v19;
	v48 =	vmin.f32 v10, v57;
	v10 =	vmax.f32 v43, v63;
	v61 =	vsub.f32 v33, v47  }
0x1ac: {  	s7 =	simm.s32 $0x60C0;
	v36 =	vmovc v31;
	v43 =	vmov v26;
	v16 =	vmax.f32 v35, v48;
	v24 =	vmax.f32 v54, v2;
	[tilespmem:s29+$0x0] =	vst v50  }
0x1ad: {  	v54 =	vmin.f32 v42, v7;
	v42 =	vmovc v18;
	v32 =	vmax.f32 v38, v61;
	v49 =	vmin.f32 v38, v61;
	v40 =	vld [tilespmem:s7+$0xFFFFFFF0]  }
0x1ae: {  	s13 =	simm.s32 $0x10;
	s12 =	simm.s32 $0x80;
	v33 =	vmovc v30;
	v50 =	vmin.f32 v34, v15;
	v15 =	vmax.f32 v37, v52;
	v34 =	vmovc v29;
	v39 =	vld [tilespmem:s7+$0x30];
	v38 =	vmov v32  }
.LBB2_9:
0x1af: {  	v0 =	vld.idx.msk [tilespmem:v8+s13+$0x0 ss:$0x1], $0xffff  }
0x1b0: {  	v1 =	vld [tilespmem:s7+$0x20]  }
0x1b1: {  	v6 =	vld [tilespmem:s7+$0xFFFFFFC0]  }
0x1b2: {  	v17 =	vmax.f32 v17, v51;
	v3 =	vmin.f32 v35, v48;
	v48 =	vld [tilespmem:s7+$0xFFFFFFD0]  }
0x1b3: {  	v18 =	vmax.f32 v18, v49;
	v26 =	vmax.f32 v26, v53;
	v19 =	vmax.f32 v19, v54;
	v60 =	vld [tilespmem:$0x1FFE0]  }
0x1b4: {  	v20 =	vmax.f32 v20, v50;
	v27 =	vmax.f32 v27, v55;
	v4 =	vmin.f32 v37, v52;
	v61 =	vld [tilespmem:$0x1FF80]  }
0x1b5: {  	v5 =	vmin.f32 v41, v51;
	v7 =	vmin.f32 v42, v49;
	v56 =	vmin.f32 v43, v53;
	v62 =	vld [tilespmem:$0x1FF90]  }
0x1b6: {  	v37 =	vmin.f32 v46, v54;
	v57 =	vmin.f32 v44, v50;
	v49 =	vmin.f32 v45, v55;
	v58 =	vld [tilespmem:$0x1FFB0]  }
0x1b7: {  	v2 =	vld [tilespmem:s7+$0xFFFFFFE0];
	v21 =	vmax.f32 v21, v3;
	v28 =	vmax.f32 v28, v4;
	v0 =	vsub.f32 $1.000000000e+00, v0  }
0x1b8: {  	v47 =	vmovc v12;
	v59 =	vld [tilespmem:$0x1FFF0];
	v14 =	vmax.f32 v14, v5;
	v22 =	vmax.f32 v22, v7;
	v50 =	vmul.f32 v1, v60  }
0x1b9: {  	v54 =	vmovc v11;
	v7 =	vld [tilespmem:$0x1FFA0];
	v23 =	vmax.f32 v23, v56;
	v60 =	vmul.f32 v6, v61;
	v51 =	vmul.f32 v0, v6  }
0x1ba: {  	v55 =	vmovc v13;
	v9 =	vmax.f32 v9, v37;
	v63 =	vmul.f32 v48, v62;
	v52 =	vmul.f32 v48, v0  }
0x1bb: {  	v35 =	vmovc v16;
	v24 =	vmax.f32 v24, v57;
	v4 =	vmul.f32 v40, v58;
	v56 =	vadd.f32 v51, v60  }
0x1bc: {  	v53 =	vld [tilespmem:s7+$0x0];
	v41 =	vmovc v17;
	v57 =	vmul.f32 v51, v60;
	v60 =	vadd.f32 v52, v63;
	v61 =	vmul.f32 v52, v63  }
0x1bd: {  	v42 =	vmovc v18;
	v25 =	vmax.f32 v25, v49;
	v5 =	vmul.f32 v39, v59;
	v58 =	vmul.f32 v2, v0;
	v63 =	vld [tilespmem:$0x1FFC0]  }
0x1be: {  	v43 =	vmovc v26;
	v7 =	vmul.f32 v2, v7;
	v6 =	vsub.f32 v6, v51;
	v60 =	vsub.f32 v60, v61  }
0x1bf: {  	v46 =	vmovc v19;
	v59 =	vld [tilespmem:s7+$0x10];
	v62 =	vmul.f32 v40, v0;
	v52 =	vsub.f32 v48, v52;
	v2 =	vsub.f32 v2, v58  }
0x1c0: {  	v56 =	vsub.f32 v56, v57;
	v57 =	vadd.f32 v58, v7;
	v7 =	vmul.f32 v58, v7;
	[tilespmem:s7+$0xFFFFFFD0] =	vst v60;
	v60 =	vld [tilespmem:$0x1FFD0]  }
0x1c1: {  	v44 =	vmovc v20;
	v61 =	vadd.f32 v62, v4;
	v4 =	vmul.f32 v62, v4;
	v29 =	vmax.f32 v29, v6  }
0x1c2: {  	[tilespmem:s7+$0xFFFFFFC0] =	vst v56;
	v7 =	vsub.f32 v57, v7;
	v57 =	vmul.f32 v53, v0;
	v56 =	vmul.f32 v53, v63  }
0x1c3: {  	v45 =	vmovc v27;
	v30 =	vmax.f32 v30, v52;
	v31 =	vmax.f32 v31, v2;
	v48 =	vmin.f32 v34, v6  }
0x1c4: {  	v63 =	vmul.f32 v1, v0;
	[tilespmem:s7+$0xFFFFFFE0] =	vst v7;
	v7 =	vadd.f32 v57, v56;
	v56 =	vmul.f32 v57, v56  }
0x1c5: {  	v3 =	vmovc v10;
	v4 =	vsub.f32 v61, v4;
	v61 =	vmul.f32 v59, v0;
	v60 =	vmul.f32 v59, v60  }
0x1c6: {  	v37 =	vmovc v15;
	v7 =	vsub.f32 v7, v56;
	v56 =	vadd.f32 v63, v50;
	v50 =	vmul.f32 v63, v50  }
0x1c7: {  	v0 =	vmul.f32 v39, v0;
	[tilespmem:s7+$0xFFFFFFF0] =	vst v4;
	v4 =	vadd.f32 v61, v60;
	v60 =	vmul.f32 v61, v60  }
0x1c8: {  	v52 =	vmin.f32 v33, v52;
	v51 =	vmin.f32 v36, v2;
	[tilespmem:s7+$0x0] =	vst v7;
	v7 =	vsub.f32 v56, v50  }
0x1c9: {  	v34 =	vmovc v29;
	v4 =	vsub.f32 v4, v60;
	v60 =	vadd.f32 v0, v5;
	v5 =	vmul.f32 v0, v5  }
0x1ca: {  	p0 =	sne.s32 s12, $0xFC0;
	v16 =	vmax.f32 v16, v48;
	v1 =	vsub.f32 v1, v63;
	[tilespmem:s7+$0x20] =	vst v7;
	v7 =	vsub.f32 v53, v57  }
.Ltmp3:
0x1cb: {  	v33 =	vmovc v30;
	v15 =	vmax.f32 v15, v52;
	v0 =	vsub.f32 v39, v0;
	v56 =	vsub.f32 v60, v5;
	(pc) =	sbr.rel @p0 .LBB2_9-.Ltmp3, $4  }
0x1cc: {  	v13 =	vmax.f32 v13, v1;
	v50 =	vmin.f32 v55, v1;
	[tilespmem:s7+$0x10] =	vst v4;
	v60 =	vsub.f32 v40, v62  }
0x1cd: {  	v62 =	vsub.f32 v59, v61;
	v12 =	vmax.f32 v12, v7;
	v10 =	vmax.f32 v10, v0;
	[tilespmem:s7+$0x30] =	vst v56;
	s7 =	sadd.s32 $0x80, s7  }
0x1ce: {  	v36 =	vmovc v31;
	v53 =	vmin.f32 v47, v7;
	v55 =	vmin.f32 v3, v0;
	v32 =	vmax.f32 v32, v60;
	v40 =	vld [tilespmem:s7+$0xFFFFFFF0]  }
0x1cf: {  	s13 =	sshra.s32 s12, $0x2;
	s12 =	sadd.s32 $0x40, s12;
	v11 =	vmax.f32 v11, v62;
	v49 =	vmin.f32 v38, v60;
	v54 =	vmin.f32 v54, v62;
	v39 =	vld [tilespmem:s7+$0x30];
	v38 =	vmovc v32  }
0x1d0: {  	_ =	sdelay $0x3  }
0x1d1: {  	v0 =	vld.idx.msk [tilespmem:v8+s13+$0x0 ss:$0x1], $0xffff  }
0x1d2: {  	v8 =	vld [tilespmem:s7+$0xFFFFFFE0]  }
0x1d3: {  	v6 =	vmax.f32 v20, v50;
	v20 =	vld [tilespmem:s7+$0xFFFFFFC0]  }
0x1d4: {  	v2 =	vmax.f32 v18, v49;
	v18 =	vmin.f32 v37, v52;
	v37 =	vld [tilespmem:s7+$0xFFFFFFD0]  }
0x1d5: {  	v5 =	vmax.f32 v19, v54;
	v19 =	vmin.f32 v41, v51;
	v41 =	vmin.f32 v45, v55;
	v45 =	vld [tilespmem:s7+$0x0]  }
0x1d6: {  	v61 =	vld [tilespmem:$0x1FFC0]  }
0x1d7: {  	v18 =	vmax.f32 v28, v18;
	v28 =	vld [tilespmem:$0x1FFB0]  }
0x1d8: {  	v3 =	vmax.f32 v26, v53;
	v26 =	vmin.f32 v42, v49;
	v42 =	vmax.f32 v14, v19;
	v14 =	vld [tilespmem:$0x1FFA0]  }
0x1d9: {  	v7 =	vmax.f32 v27, v55;
	v27 =	vmin.f32 v43, v53;
	v43 =	vmax.f32 v22, v26;
	v22 =	vld [tilespmem:$0x1FF80]  }
0x1da: {  	v23 =	vmax.f32 v23, v27;
	v27 =	vld [tilespmem:$0x1FF90]  }
0x1db: {  	v1 =	vmax.f32 v17, v51;
	v17 =	vmin.f32 v35, v48  }
0x1dc: {  	v58 =	vmin.f32 v46, v54;
	v17 =	vmax.f32 v21, v17  }
0x1dd: {  	v0 =	vsub.f32 $1.000000000e+00, v0;
	v35 =	vmul.f32 v45, v61;
	v28 =	vmul.f32 v40, v28  }
0x1de: {  	v21 =	vmin.f32 v44, v50;
	v14 =	vmul.f32 v8, v14;
	v22 =	vmul.f32 v20, v22  }
0x1df: {  	v51 =	vmax.f32 v9, v58;
	v27 =	vmul.f32 v37, v27;
	v26 =	vmul.f32 v0, v20  }
0x1e0: {  	v48 =	vld [tilespmem:s7+$0x10];
	v25 =	vmax.f32 v25, v41;
	v44 =	vmul.f32 v37, v0;
	v47 =	vmul.f32 v8, v0  }
0x1e1: {  	v50 =	vmul.f32 v40, v0;
	v59 =	vadd.f32 v26, v22;
	v22 =	vmul.f32 v26, v22  }
0x1e2: {  	v4 =	vld [tilespmem:s7+$0x20];
	v62 =	vmul.f32 v45, v0;
	v60 =	vadd.f32 v44, v27;
	v27 =	vmul.f32 v44, v27  }
0x1e3: {  	v19 =	vld [tilespmem:$0x1FFE0];
	v9 =	vsub.f32 v59, v22;
	v22 =	vadd.f32 v47, v14;
	v14 =	vmul.f32 v47, v14  }
0x1e4: {  	v46 =	vsub.f32 v60, v27;
	v27 =	vmul.f32 v50, v28;
	v28 =	vadd.f32 v50, v28  }
0x1e5: {  	v24 =	vmax.f32 v24, v21;
	v63 =	vmul.f32 v48, v0;
	v14 =	vsub.f32 v22, v14;
	v22 =	vld [tilespmem:$0x1FFD0]  }
0x1e6: {  	v28 =	vsub.f32 v28, v27;
	v27 =	vadd.f32 v62, v35;
	v35 =	vmul.f32 v62, v35  }
0x1e7: {  	v57 =	vmul.f32 v4, v0;
	v20 =	vsub.f32 v20, v26;
	v21 =	vsub.f32 v37, v44  }
0x1e8: {  	v19 =	vmul.f32 v4, v19;
	v8 =	vsub.f32 v8, v47;
	v59 =	vsub.f32 v27, v35;
	v27 =	vld [tilespmem:$0x1FFF0]  }
0x1e9: {  	v0 =	vmul.f32 v39, v0;
	v61 =	vsub.f32 v48, v63;
	v4 =	vsub.f32 v4, v57  }
0x1ea: {  	v41 =	vmax.f32 v30, v21;
	v36 =	vmin.f32 v36, v8;
	v22 =	vmul.f32 v48, v22  }
0x1eb: {  	v30 =	vsub.f32 v45, v62;
	v62 =	vmin.f32 v33, v21;
	v21 =	vmax.f32 v1, v36  }
0x1ec: {  	v1 =	vmin.f32 v1, v36;
	v58 =	vadd.f32 v63, v22;
	v22 =	vmul.f32 v63, v22  }
0x1ed: {  	v35 =	vmax.f32 v12, v30;
	v27 =	vmul.f32 v39, v27;
	v63 =	vmin.f32 v12, v30  }
0x1ee: {  	v30 =	vmax.f32 v15, v62;
	v54 =	vsub.f32 v58, v22;
	v22 =	vadd.f32 v57, v19  }
0x1ef: {  	v19 =	vmul.f32 v57, v19;
	v26 =	vadd.f32 v0, v27;
	v27 =	vmul.f32 v0, v27  }
0x1f0: {  	[tilespmem:s7+$0xFFFFFFE0] =	vst v14;
	v14 =	vmax.f32 v3, v63;
	v3 =	vmin.f32 v3, v63;
	v0 =	vsub.f32 v39, v0  }
0x1f1: {  	v19 =	vsub.f32 v22, v19;
	v60 =	vsub.f32 v26, v27;
	v22 =	vmax.f32 v29, v20  }
0x1f2: {  	v29 =	vsub.f32 v40, v50;
	v40 =	vmax.f32 v31, v8;
	v27 =	vmax.f32 v11, v61  }
0x1f3: {  	v31 =	vmin.f32 v34, v20;
	v26 =	vmax.f32 v13, v4;
	v34 =	vmax.f32 v10, v0  }
0x1f4: {  	[tilespmem:s7+$0xFFFFFFC0] =	vst v9;
	v11 =	vmin.f32 v11, v61;
	v4 =	vmin.f32 v13, v4;
	v0 =	vmin.f32 v10, v0  }
0x1f5: {  	s8 =	sadd.s32 $0x1, s8;
	[tilespmem:s7+$0xFFFFFFD0] =	vst v46;
	v13 =	vmin.f32 v15, v62;
	v15 =	vmax.f32 v23, v3;
	v33 =	vmax.f32 v16, v31  }
0x1f6: {  	p0 =	sne.s32 s8, $0x10;
	[tilespmem:s7+$0xFFFFFFF0] =	vst v28;
	v12 =	vmax.f32 v5, v11;
	v9 =	vmax.f32 v6, v4;
	v8 =	vmax.f32 v7, v0  }
.Ltmp4:
0x1f7: {  	[tilespmem:s7+$0x0] =	vst v59;
	v10 =	vmin.f32 v16, v31;
	v5 =	vmin.f32 v5, v11;
	v4 =	vmin.f32 v6, v4;
	(pc) =	sbr.rel @p0 .LBB2_2-.Ltmp4, $4  }
0x1f8: {  	[tilespmem:s7+$0x10] =	vst v54;
	v0 =	vmin.f32 v7, v0;
	v18 =	vmax.f32 v18, v13;
	v39 =	vmax.f32 v32, v29  }
0x1f9: {  	s30 =	sadd.s32 s3, s9;
	s2 =	sadd.s32 $0x1000, s2;
	v29 =	vmin.f32 v38, v29;
	[tilespmem:s7+$0x20] =	vst v19;
	v19 =	vmax.f32 v17, v10;
	v17 =	vmax.f32 v42, v1  }
0x1fa: {  	s14 =	sadd.s32 $0x1000, s14;
	s31 =	sadd.s32 $0x1000, s31;
	s6 =	sadd.s32 $0x1000, s6;
	[tilespmem:s7+$0x30] =	vst v60;
	v13 =	vmax.f32 v51, v5;
	v20 =	vmax.f32 v2, v29;
	v2 =	vmin.f32 v2, v29  }
0x1fb: {  	v11 =	vmax.f32 v24, v4;
	v10 =	vmax.f32 v25, v0;
	[hbm4b:s30+s16] =	stream.strided.scatter [tilespmem:s23], [sflag:$0x8], $0x2000, s17, s16, $0x38;
	v16 =	vmax.f32 v43, v2;
	[tilespmem:$0x18100] =	vst v63  }
0x1fc: {  	s2 =	simm.s32 $0x7  }
0x1fd: {  	_ =	swait.ge [sflag:s2], $0x2000  }
0x1fe: {  	[sflag:s2] =	ssyncset.done $0x0  }
0x1ff: {  	s29 =	simm.s32 $0x8;
	[sflag:s2] =	ssyncadd.s32 $0xFFFFE000  }
0x200: {  	_ =	swait.ge [sflag:s29], $0x2000  }
0x201: {  	[sflag:s29] =	ssyncset.done $0x0  }
0x202: {  	[sflag:s29] =	ssyncadd.s32 $0xFFFFE000  }
0x203: {  	v0 =	vld [tilespmem:$0x18000]  }
0x204: {  	v1 =	vld [tilespmem:$0x18010];
	_ =	sdelay $0x1  }
0x205: {  	v6 =	vld [tilespmem:$0x18020]  }
0x206: {  	v7 =	vld [tilespmem:$0x18030]  }
0x207: {  	v2 =	vmul.f32 v0, v33;
	v3 =	vmul.f32 v0, v19  }
0x208: {  	v32 =	vld [tilespmem:$0x18040];
	v4 =	vmul.f32 v1, v30;
	v5 =	vmul.f32 v1, v18  }
0x209: {  	v37 =	vld [tilespmem:$0x18050];
	v0 =	vmul.f32 v0, v22;
	v1 =	vmul.f32 v1, v41  }
0x20a: {  	v29 =	vmul.f32 v6, v21;
	v30 =	vmul.f32 v6, v17  }
0x20b: {  	v31 =	vmul.f32 v7, v20;
	v16 =	vmul.f32 v7, v16  }
0x20c: {  	v44 =	vld [tilespmem:$0x18060];
	v6 =	vmul.f32 v6, v40;
	v41 =	vmul.f32 v7, v39  }
0x20d: {  	v42 =	vmul.f32 v32, v14;
	v43 =	vmul.f32 v32, v15;
	v2 =	vsub.f32 $1.000000000e+00, v2  }
0x20e: {  	v47 =	vld [tilespmem:$0x18070];
	v12 =	vmul.f32 v37, v12;
	v3 =	vsub.f32 $1.000000000e+00, v3;
	v4 =	vsub.f32 $1.000000000e+00, v4  }
0x20f: {  	v13 =	vmul.f32 v37, v13;
	v5 =	vsub.f32 $1.000000000e+00, v5;
	v0 =	vsub.f32 $1.000000000e+00, v0  }
0x210: {  	v50 =	vmul.f32 v32, v35;
	v1 =	vsub.f32 $1.000000000e+00, v1;
	v33 =	vsub.f32 $1.000000000e+00, v29  }
0x211: {  	v9 =	vmul.f32 v44, v9;
	v36 =	vsub.f32 $1.000000000e+00, v30;
	v38 =	vsub.f32 $1.000000000e+00, v31  }
0x212: {  	v11 =	vmul.f32 v44, v11;
	v16 =	vsub.f32 $1.000000000e+00, v16;
	v6 =	vsub.f32 $1.000000000e+00, v6  }
0x213: {  	v8 =	vmul.f32 v47, v8;
	v45 =	vsub.f32 $1.000000000e+00, v42;
	v46 =	vsub.f32 $1.000000000e+00, v43  }
0x214: {  	v10 =	vmul.f32 v47, v10;
	v48 =	vsub.f32 $1.000000000e+00, v12;
	v49 =	vsub.f32 $1.000000000e+00, v13  }
0x215: {  	v52 =	vmul.f32 v44, v26;
	v51 =	vsub.f32 $1.000000000e+00, v50;
	v9 =	vsub.f32 $1.000000000e+00, v9  }
0x216: {  	v53 =	vmul.f32 v47, v34;
	v11 =	vsub.f32 $1.000000000e+00, v11;
	v8 =	vsub.f32 $1.000000000e+00, v8  }
0x217: {  	v10 =	vsub.f32 $1.000000000e+00, v10;
	v2 =	vmul.f32 v3, v2;
	v28 =	vmul.f32 v5, v4  }
0x218: {  	v55 =	vsub.f32 $1.000000000e+00, v52;
	v3 =	vmul.f32 v16, v38;
	v5 =	vmul.f32 v37, v27  }
0x219: {  	v4 =	vsub.f32 $1.000000000e+00, v41;
	v56 =	vmul.f32 v11, v9;
	v0 =	vmul.f32 v2, v0  }
0x21a: {  	v58 =	vsub.f32 $1.000000000e+00, v53;
	v59 =	vmul.f32 v10, v8;
	v1 =	vmul.f32 v28, v1  }
0x21b: {  	v2 =	vmul.f32 v36, v33;
	v3 =	vmul.f32 v3, v4;
	v0 =	vsub.f32 $1.000000000e+00, v0  }
0x21c: {  	v4 =	vmul.f32 v49, v48;
	v60 =	vmul.f32 v56, v55;
	v1 =	vsub.f32 $1.000000000e+00, v1  }
0x21d: {  	v5 =	vsub.f32 $1.000000000e+00, v5;
	v61 =	vmul.f32 v59, v58;
	v3 =	vsub.f32 $1.000000000e+00, v3;
	[tilespmem:$0x18080] =	vst v0  }
0x21e: {  	v2 =	vmul.f32 v2, v6;
	v6 =	vmul.f32 v46, v45;
	v62 =	vsub.f32 $1.000000000e+00, v60;
	[tilespmem:$0x18090] =	vst v1  }
0x21f: {  	v57 =	vmul.f32 v4, v5;
	v63 =	vsub.f32 $1.000000000e+00, v61;
	[tilespmem:$0x180B0] =	vst v3  }
0x220: {  	v2 =	vsub.f32 $1.000000000e+00, v2;
	v54 =	vmul.f32 v6, v51;
	[tilespmem:$0x180E0] =	vst v62  }
0x221: {  	v1 =	vsub.f32 $1.000000000e+00, v57;
	[tilespmem:$0x180F0] =	vst v63  }
0x222: {  	[tilespmem:$0x180A0] =	vst v2;
	v0 =	vsub.f32 $1.000000000e+00, v54  }
0x223: {  	[tilespmem:$0x180D0] =	vst v1  }
0x224: {  	s6 =	simm.s32 $0x18080;
	s30 =	rddreg [dreg:$0xa];
	[tilespmem:$0x180C0] =	vst v0  }
0x225: {  	[hbm4b:s30+s4] =	stream.linear.scatter [tilespmem:s6], [sflag:$0xA], $0x80, $0x38;
	[tilespmem:$0x18100] =	vst v63  }
0x226: {  	_ =	swait.ge [sflag:s15], $0x80  }
0x227: {  	s0 =	sadd.s32 $0x1, s0;
	s31 =	rddreg [dreg:$0xb]  }
0x228: {  	p0 =	sne.s32 s0, s31  }
.Ltmp5:
0x229: {  	_ = 	snop;
	(pc) =	sbr.rel @p0 .LBB2_1-.Ltmp5, $3  }
0x22a: {  	_ =	sdelay $0x1  }
0x22b: {  	[sflag:s15] =	ssyncset.done $0x0  }
0x22c: {  	[sflag:s15] =	ssyncadd.s32 $0xFFFFFF80  }
0x22d: {  	_ =	sfence.sel $0x180000  }
0x22e: {  	[bflag:$0x0] =	sbarrier.arrive $0xFFFF  }
0x22f: {  	_ =	strace $0x90000047  }
0x230: {  	s0 =	stileid.u32;
	[bflag:$0x2] =	sbarrier.arrive $0xFFFF  }
0x231: {  	p0 =	sne.s32 s0, $0x0;
	s0 =	rddreg [dreg:$0x5]  }
0x232: {  	s0 =	sadd.s32 @!p0 $0x100000, s0  }
0x233: {  	[sflag:s0] =	ssyncadd.tile.s32 @!p0 $0x1;
	_ =	shalt  }
.Lfunc_end2:
_tile_overlayer_lowered:
.L_overlay_start_2:
0x234: {  	(tag) =	ssettag $0x2  }
0x235: {  	s0 =	rddreg [dreg:$0x0];
	s2 =	stileid.u32  }
0x236: {  	s1 =	rddreg [dreg:$0x1];
	p0 =	sne.s32 s2, $0x0  }
0x237: {  	s3 =	rddreg [dreg:$0x2];
	[bflag:$0x3] =	sbarrier.arrive $0xFFFF;
	s2 =	simm.s32 @!p0 $0x1C0A  }
0x238: {  	[timem:s3], [sflag:s2] =	dma.local @!p0 [hbm:s0], s1  }
0x239: {  	s0 =	simm.s32 @!p0 $0xA  }
0x23a: {  	_ =	swait.ge @!p0 [sflag:s0], s1  }
0x23b: {  	s1 =	ssub.s32 @!p0 $0x0, s1;
	[sflag:s0] =	ssyncset.done @!p0 $0x0  }
0x23c: {  	[sflag:s0] =	ssyncadd.s32 @!p0 s1  }
0x23d: {  	[bflag:$0x3] =	sbarrier.arrive $0xFFFF  }
0x23e: {  	_ =	shalt  }

</sc_bundles>
